<compile_context>
chip_gen: v7x
topology: tpu7x:2x2x1
jax: 0.10.2.dev20260603
libtpu: 0.0.44.dev20260713+nightly
codegen_flags: <defaults>
</compile_context>

<pallas_src>
import functools

import jax
import jax.numpy as jnp
from jax import lax
from jax.experimental import pallas as pl
from jax.experimental.pallas import tpu as pltpu
from jax.experimental.pallas import tpu_sc as plsc

N = 10000
E = 320000
D = 128
NC = 2
NS = 16
NW = NC * NS
CHUNK = 128
NCHUNKS = E // CHUNK
NITER = (NCHUNKS + NW - 1) // NW + 1
NPAD = 10240
RPT = NPAD // NS

_mesh = plsc.VectorSubcoreMesh(core_axis_name="c", subcore_axis_name="s")


@functools.partial(
    pl.kernel,
    out_type=jax.ShapeDtypeStruct((NC, NPAD, D), jnp.float32),
    mesh=_mesh,
    scratch_types=[
        pltpu.VMEM((2, CHUNK), jnp.int32),
        pltpu.VMEM((2, CHUNK), jnp.int32),
        pltpu.VMEM((2, CHUNK), jnp.int32),
        pltpu.VMEM((2, CHUNK), jnp.int32),
        pltpu.VMEM((CHUNK, D), jnp.float32),
        pltpu.VMEM((CHUNK, D), jnp.float32),
        pltpu.VMEM_SHARED((NPAD, D), jnp.float32),
        pltpu.SemaphoreType.DMA,
        pltpu.SemaphoreType.DMA,
        pltpu.SemaphoreType.DMA,
        pltpu.SemaphoreType.DMA,
        pltpu.SemaphoreType.DMA,
        pltpu.SemaphoreType.DMA,
    ],
)
def _agg_kernel(y_hbm, ei_hbm, out_hbm,
                idxa, idxb, idxc, idxd, rows0, rows1,
                agg, sem0, sem1, isema, isemb, isemc, isemd):
    cid = lax.axis_index("c")
    sid = lax.axis_index("s")
    wid = cid * NS + sid

    @pl.loop(0, CHUNK)
    def _(i):
        for j in range(D // 16):
            rows0[i, pl.ds(j * 16, 16)] = jnp.zeros((16,), jnp.float32)

    for k in range(RPT // CHUNK):
        pltpu.sync_copy(rows0, agg.at[pl.ds(sid * RPT + k * CHUNK, CHUNK), :])
    plsc.subcore_barrier()

    def load_idx(i, idx, isem):
        c = i * NW + wid

        @pl.when(c < NCHUNKS)
        def _():
            pltpu.async_copy(ei_hbm.at[:, pl.ds(c * CHUNK, CHUNK)], idx, isem)

    def gather(i, idx, rows, isem, sem):
        c = i * NW + wid

        @pl.when(c < NCHUNKS)
        def _():
            pltpu.make_async_copy(
                ei_hbm.at[:, pl.ds(c * CHUNK, CHUNK)], idx, isem).wait()
            pltpu.async_copy(y_hbm.at[idx.at[1]], rows, sem)

    def scatter(i, idx, rows, sem):
        c = i * NW + wid

        @pl.when(c < NCHUNKS)
        def _():
            pltpu.make_async_copy(y_hbm.at[idx.at[1]], rows, sem).wait()
            pltpu.sync_copy(rows, agg.at[idx.at[0]], add=True)

    load_idx(0, idxa, isema)
    load_idx(1, idxb, isemb)
    load_idx(2, idxc, isemc)
    load_idx(3, idxd, isemd)
    gather(0, idxa, rows0, isema, sem0)

    @pl.loop(0, NITER, step=4)
    def _(i):
        gather(i + 1, idxb, rows1, isemb, sem1)
        scatter(i, idxa, rows0, sem0)
        load_idx(i + 4, idxa, isema)
        gather(i + 2, idxc, rows0, isemc, sem0)
        scatter(i + 1, idxb, rows1, sem1)
        load_idx(i + 5, idxb, isemb)
        gather(i + 3, idxd, rows1, isemd, sem1)
        scatter(i + 2, idxc, rows0, sem0)
        load_idx(i + 6, idxc, isemc)
        gather(i + 4, idxa, rows0, isema, sem0)
        scatter(i + 3, idxd, rows1, sem1)
        load_idx(i + 7, idxd, isemd)

    plsc.subcore_barrier()
    pltpu.sync_copy(
        agg.at[pl.ds(sid * RPT, RPT), :],
        out_hbm.at[cid, pl.ds(sid * RPT, RPT), :],
    )


_BN = 1000
_BE = 32000
_NEB = E // _BE


def _hist_body(rows_ref, o_ref):
    r = rows_ref[0]
    hi = jnp.right_shift(r, 7)
    lo = jnp.bitwise_and(r, 127)
    ids = lax.broadcasted_iota(jnp.int32, (128, _BE), 0)
    oh_hi = (ids == hi).astype(jnp.bfloat16)
    oh_lo = (ids == lo).astype(jnp.bfloat16)
    contrib = lax.dot_general(
        oh_hi, oh_lo, (((1,), (1,)), ((), ())),
        preferred_element_type=jnp.float32)

    @pl.when(pl.program_id(0) == 0)
    def _():
        o_ref[...] = jnp.zeros_like(o_ref)

    o_ref[...] += contrib


def _dinv_from(deg_ref):
    d = deg_ref[...]
    return jnp.where(d > 0, lax.rsqrt(jnp.where(d > 0, d, 1.0)), 0.0)


def _mmscale_body(x_ref, w_ref, deg_ref, y_ref):
    xw = lax.dot_general(
        x_ref[...], w_ref[...], (((1,), (1,)), ((), ())),
        precision=lax.Precision.HIGHEST, preferred_element_type=jnp.float32)
    y_ref[...] = xw * _dinv_from(deg_ref)


def _final_body(parts_ref, deg_ref, b_ref, o_ref):
    s = parts_ref[0] + parts_ref[1]
    o_ref[...] = s * _dinv_from(deg_ref) + b_ref[...]


def kernel(x, edge_index, W, b):
    f32 = jnp.float32

    rows3 = edge_index[0].reshape(_NEB, 1, _BE)
    deg2d = pl.pallas_call(
        _hist_body,
        grid=(_NEB,),
        in_specs=[pl.BlockSpec((1, 1, _BE), lambda i: (i, 0, 0))],
        out_specs=pl.BlockSpec((128, 128), lambda i: (0, 0)),
        out_shape=jax.ShapeDtypeStruct((128, 128), f32),
    )(rows3)
    deg_col = deg2d.reshape(128 * 128, 1)[:N]

    y = pl.pallas_call(
        _mmscale_body,
        grid=(N // _BN,),
        in_specs=[
            pl.BlockSpec((_BN, D), lambda i: (i, 0)),
            pl.BlockSpec((D, D), lambda i: (0, 0)),
            pl.BlockSpec((_BN, 1), lambda i: (i, 0)),
        ],
        out_specs=pl.BlockSpec((_BN, D), lambda i: (i, 0)),
        out_shape=jax.ShapeDtypeStruct((N, D), f32),
    )(x, W, deg_col)

    parts = _agg_kernel(y, edge_index)

    out = pl.pallas_call(
        _final_body,
        grid=(N // _BN,),
        in_specs=[
            pl.BlockSpec((NC, _BN, D), lambda i: (0, i, 0)),
            pl.BlockSpec((_BN, 1), lambda i: (i, 0)),
            pl.BlockSpec((1, D), lambda i: (0, 0)),
        ],
        out_specs=pl.BlockSpec((_BN, D), lambda i: (i, 0)),
        out_shape=jax.ShapeDtypeStruct((N, D), f32),
    )(parts, deg_col, b.reshape(1, D))

    return out

# --- scband reference (transcript-rebuilt; emitter-appended) ---
"""Pipeline reference for scband-graph-conv-layer-2018634629224 (READ-ONLY COPY).

The authoritative reference and input builder live on the scoring server;
editing this copy changes nothing except your own understanding.
"""

import jax, jax.numpy as jnp
import numpy as np

N = 10000
E = 320000
D_IN = 128
D_OUT = 128


def setup_inputs(seed: int = 0) -> dict:
    key = jax.random.key(seed)
    k1, k2, k3, k4 = jax.random.split(key, 4)
    x = jax.random.normal(k1, (N, D_IN), dtype=jnp.float32)
    edge_index = jax.random.randint(k2, (2, E), 0, N, dtype=jnp.int32)
    # Linear layer params (torch nn.Linear: W [out, in], b [out])
    bound = 1.0 / np.sqrt(D_IN)
    W = jax.random.uniform(k3, (D_OUT, D_IN), dtype=jnp.float32, minval=-bound, maxval=bound)
    b = jax.random.uniform(k4, (D_OUT,), dtype=jnp.float32, minval=-bound, maxval=bound)
    return {"x": x, "edge_index": edge_index, "W": W, "b": b}


def reference(x, edge_index, W, b):
    # GCN normalization + aggregation + linear. Dropout is identity (eval mode).
    n = x.shape[0]
    row = edge_index[0]
    col = edge_index[1]
    # degree of destination nodes via scatter-add
    deg = jnp.zeros((n,), dtype=x.dtype).at[row].add(jnp.ones((row.shape[0],), dtype=x.dtype))
    # deg^{-1/2} with inf -> 0 for isolated nodes
    deg_inv_sqrt = jnp.where(deg > 0, jax.lax.rsqrt(jnp.where(deg > 0, deg, 1.0)), 0.0)
    norm = deg_inv_sqrt[row] * deg_inv_sqrt[col]
    # gather source features, scale, scatter-add into destinations
    src = jnp.take(x, col, axis=0) * norm[:, None]
    aggregated = jnp.zeros_like(x).at[row].add(src)
    output = aggregated @ W.T + b
    return output

if __name__ == "__main__":
    import jax
    _d = setup_inputs()
    print(jax.jit(kernel)(*tuple(_d.values())))

</pallas_src>

<mosaic_0001>
#map = affine_map<(d0, d1) -> (0, 0)>
#map1 = affine_map<(d0, d1) -> (0, 0, 0)>
module attributes {stable_mosaic.version = 14 : i64} {
  func.func @_agg_kernel(%arg0: i32, %arg1: i32, %arg2: memref<10000x128xf32, #tpu.memory_space<hbm>>, %arg3: memref<2x320000xi32, #tpu.memory_space<hbm>>, %arg4: memref<2x10240x128xf32, #tpu.memory_space<hbm>>, %arg5: memref<2x128xi32, #tpu.memory_space<vmem>>, %arg6: memref<2x128xi32, #tpu.memory_space<vmem>>, %arg7: memref<2x128xi32, #tpu.memory_space<vmem>>, %arg8: memref<2x128xi32, #tpu.memory_space<vmem>>, %arg9: memref<128x128xf32, #tpu.memory_space<vmem>>, %arg10: memref<128x128xf32, #tpu.memory_space<vmem>>, %arg11: memref<10240x128xf32, #tpu.memory_space<vmem_shared>>, %arg12: memref<!tpu.dma_semaphore, #tpu.memory_space<semaphore_mem>>, %arg13: memref<!tpu.dma_semaphore, #tpu.memory_space<semaphore_mem>>, %arg14: memref<!tpu.dma_semaphore, #tpu.memory_space<semaphore_mem>>, %arg15: memref<!tpu.dma_semaphore, #tpu.memory_space<semaphore_mem>>, %arg16: memref<!tpu.dma_semaphore, #tpu.memory_space<semaphore_mem>>, %arg17: memref<!tpu.dma_semaphore, #tpu.memory_space<semaphore_mem>>) attributes {dimension_semantics = [#tpu.dimension_semantics<core_parallel>, #tpu.dimension_semantics<subcore_parallel>], iteration_bounds = array<i64: 2, 16>, scalar_prefetch = 0 : i64, scratch_operands = 13 : i64, tpu.core_type = #tpu.core_type<sc_vector_subcore>, window_params = [{transform_indices = #map}, {transform_indices = #map}, {transform_indices = #map1}]} {
    %mul3A = arith.constant 16 : i32
    %mul3A_0 = arith.muli %arg0, %mul3A : i32
    %add3A = arith.addi %mul3A_0, %arg1 : i32
    %scan3A = arith.constant 0 : i32
    %scan3A_1 = arith.constant 128 : i32
    %scan3A_2 = arith.addi %scan3A, %scan3A_1 : i32
    %scan3A_3 = arith.constant 1 : i32
    scf.for %scan3A_67 = %scan3A to %scan3A_2 step %scan3A_3  : i32 {
      %mul3A_68 = arith.constant 1 : i32
      %mul3A_69 = arith.muli %scan3A_67, %mul3A_68 : i32
      %add3A_70 = arith.constant 0 : i32
      %add3A_71 = arith.addi %add3A_70, %mul3A_69 : i32
      %broadcast_in_dim3A = arith.constant 0.000000e+00 : f32
      %broadcast_in_dim3A_72 = vector.broadcast %broadcast_in_dim3A : f32 to vector<16xf32>
      %swap3A = arith.index_cast %add3A_71 : i32 to index
      %swap3A_73 = arith.constant 0 : index
      %swap3A_74 = tpu.vector_load %arg9[%swap3A, %swap3A_73] {strides = array<i32>} : memref<128x128xf32, #tpu.memory_space<vmem>>, vector<1x16xf32>,
      %swap3A_75 = vector.shape_cast %swap3A_74 : vector<1x16xf32> to vector<16xf32>
      %swap3A_76 = vector.shape_cast %broadcast_in_dim3A_72 : vector<16xf32> to vector<1x16xf32>
      tpu.vector_store %arg9[%swap3A, %swap3A_73], %swap3A_76 {strides = array<i32>} : memref<128x128xf32, #tpu.memory_space<vmem>>, vector<1x16xf32>,
      %broadcast_in_dim3A_77 = arith.constant 0.000000e+00 : f32
      %broadcast_in_dim3A_78 = vector.broadcast %broadcast_in_dim3A_77 : f32 to vector<16xf32>
      %swap3A_79 = arith.index_cast %add3A_71 : i32 to index
      %swap3A_80 = arith.constant 16 : index
      %swap3A_81 = tpu.vector_load %arg9[%swap3A_79, %swap3A_80] {strides = array<i32>} : memref<128x128xf32, #tpu.memory_space<vmem>>, vector<1x16xf32>,
      %swap3A_82 = vector.shape_cast %swap3A_81 : vector<1x16xf32> to vector<16xf32>
      %swap3A_83 = vector.shape_cast %broadcast_in_dim3A_78 : vector<16xf32> to vector<1x16xf32>
      tpu.vector_store %arg9[%swap3A_79, %swap3A_80], %swap3A_83 {strides = array<i32>} : memref<128x128xf32, #tpu.memory_space<vmem>>, vector<1x16xf32>,
      %broadcast_in_dim3A_84 = arith.constant 0.000000e+00 : f32
      %broadcast_in_dim3A_85 = vector.broadcast %broadcast_in_dim3A_84 : f32 to vector<16xf32>
      %swap3A_86 = arith.index_cast %add3A_71 : i32 to index
      %swap3A_87 = arith.constant 32 : index
      %swap3A_88 = tpu.vector_load %arg9[%swap3A_86, %swap3A_87] {strides = array<i32>} : memref<128x128xf32, #tpu.memory_space<vmem>>, vector<1x16xf32>,
      %swap3A_89 = vector.shape_cast %swap3A_88 : vector<1x16xf32> to vector<16xf32>
      %swap3A_90 = vector.shape_cast %broadcast_in_dim3A_85 : vector<16xf32> to vector<1x16xf32>
      tpu.vector_store %arg9[%swap3A_86, %swap3A_87], %swap3A_90 {strides = array<i32>} : memref<128x128xf32, #tpu.memory_space<vmem>>, vector<1x16xf32>,
      %broadcast_in_dim3A_91 = arith.constant 0.000000e+00 : f32
      %broadcast_in_dim3A_92 = vector.broadcast %broadcast_in_dim3A_91 : f32 to vector<16xf32>
      %swap3A_93 = arith.index_cast %add3A_71 : i32 to index
      %swap3A_94 = arith.constant 48 : index
      %swap3A_95 = tpu.vector_load %arg9[%swap3A_93, %swap3A_94] {strides = array<i32>} : memref<128x128xf32, #tpu.memory_space<vmem>>, vector<1x16xf32>,
      %swap3A_96 = vector.shape_cast %swap3A_95 : vector<1x16xf32> to vector<16xf32>
      %swap3A_97 = vector.shape_cast %broadcast_in_dim3A_92 : vector<16xf32> to vector<1x16xf32>
      tpu.vector_store %arg9[%swap3A_93, %swap3A_94], %swap3A_97 {strides = array<i32>} : memref<128x128xf32, #tpu.memory_space<vmem>>, vector<1x16xf32>,
      %broadcast_in_dim3A_98 = arith.constant 0.000000e+00 : f32
      %broadcast_in_dim3A_99 = vector.broadcast %broadcast_in_dim3A_98 : f32 to vector<16xf32>
      %swap3A_100 = arith.index_cast %add3A_71 : i32 to index
      %swap3A_101 = arith.constant 64 : index
      %swap3A_102 = tpu.vector_load %arg9[%swap3A_100, %swap3A_101] {strides = array<i32>} : memref<128x128xf32, #tpu.memory_space<vmem>>, vector<1x16xf32>,
      %swap3A_103 = vector.shape_cast %swap3A_102 : vector<1x16xf32> to vector<16xf32>
      %swap3A_104 = vector.shape_cast %broadcast_in_dim3A_99 : vector<16xf32> to vector<1x16xf32>
      tpu.vector_store %arg9[%swap3A_100, %swap3A_101], %swap3A_104 {strides = array<i32>} : memref<128x128xf32, #tpu.memory_space<vmem>>, vector<1x16xf32>,
      %broadcast_in_dim3A_105 = arith.constant 0.000000e+00 : f32
      %broadcast_in_dim3A_106 = vector.broadcast %broadcast_in_dim3A_105 : f32 to vector<16xf32>
      %swap3A_107 = arith.index_cast %add3A_71 : i32 to index
      %swap3A_108 = arith.constant 80 : index
      %swap3A_109 = tpu.vector_load %arg9[%swap3A_107, %swap3A_108] {strides = array<i32>} : memref<128x128xf32, #tpu.memory_space<vmem>>, vector<1x16xf32>,
      %swap3A_110 = vector.shape_cast %swap3A_109 : vector<1x16xf32> to vector<16xf32>
      %swap3A_111 = vector.shape_cast %broadcast_in_dim3A_106 : vector<16xf32> to vector<1x16xf32>
      tpu.vector_store %arg9[%swap3A_107, %swap3A_108], %swap3A_111 {strides = array<i32>} : memref<128x128xf32, #tpu.memory_space<vmem>>, vector<1x16xf32>,
      %broadcast_in_dim3A_112 = arith.constant 0.000000e+00 : f32
      %broadcast_in_dim3A_113 = vector.broadcast %broadcast_in_dim3A_112 : f32 to vector<16xf32>
      %swap3A_114 = arith.index_cast %add3A_71 : i32 to index
      %swap3A_115 = arith.constant 96 : index
      %swap3A_116 = tpu.vector_load %arg9[%swap3A_114, %swap3A_115] {strides = array<i32>} : memref<128x128xf32, #tpu.memory_space<vmem>>, vector<1x16xf32>,
      %swap3A_117 = vector.shape_cast %swap3A_116 : vector<1x16xf32> to vector<16xf32>
      %swap3A_118 = vector.shape_cast %broadcast_in_dim3A_113 : vector<16xf32> to vector<1x16xf32>
      tpu.vector_store %arg9[%swap3A_114, %swap3A_115], %swap3A_118 {strides = array<i32>} : memref<128x128xf32, #tpu.memory_space<vmem>>, vector<1x16xf32>,
      %broadcast_in_dim3A_119 = arith.constant 0.000000e+00 : f32
      %broadcast_in_dim3A_120 = vector.broadcast %broadcast_in_dim3A_119 : f32 to vector<16xf32>
      %swap3A_121 = arith.index_cast %add3A_71 : i32 to index
      %swap3A_122 = arith.constant 112 : index
      %swap3A_123 = tpu.vector_load %arg9[%swap3A_121, %swap3A_122] {strides = array<i32>} : memref<128x128xf32, #tpu.memory_space<vmem>>, vector<1x16xf32>,
      %swap3A_124 = vector.shape_cast %swap3A_123 : vector<1x16xf32> to vector<16xf32>
      %swap3A_125 = vector.shape_cast %broadcast_in_dim3A_120 : vector<16xf32> to vector<1x16xf32>
      tpu.vector_store %arg9[%swap3A_121, %swap3A_122], %swap3A_125 {strides = array<i32>} : memref<128x128xf32, #tpu.memory_space<vmem>>, vector<1x16xf32>,
    }
    %scan3A_4 = arith.constant 128 : i32
    %mul3A_5 = arith.constant 640 : i32
    %mul3A_6 = arith.muli %arg1, %mul3A_5 : i32
    %add3A_7 = arith.constant 0 : i32
    %add3A_8 = arith.addi %mul3A_6, %add3A_7 : i32
    "tpu.region"() ({
      %run_scoped3A = tpu.sem_alloc : memref<!tpu.dma_semaphore, #tpu.memory_space<semaphore_mem>>
      %dma_start3A = arith.constant 0 : i32
      %dma_start3A_67 = tpu.memref_slice %arg11[%add3A_8, %dma_start3A] : memref<10240x128xf32, #tpu.memory_space<vmem_shared>> -> memref<128x128xf32, #tpu.memory_space<vmem_shared>>
      %dma_start3A_68 = arith.constant 0 : i32
      %dma_start3A_69 = tpu.memref_slice %arg11[%add3A_8, %dma_start3A_68] : memref<10240x128xf32, #tpu.memory_space<vmem_shared>> -> memref<128x128xf32, #tpu.memory_space<vmem_shared>>
      tpu.enqueue_dma source(%arg9 : memref<128x128xf32, #tpu.memory_space<vmem>>) target(%dma_start3A_69 : memref<128x128xf32, #tpu.memory_space<vmem_shared>>) target_semaphore(%run_scoped3A : memref<!tpu.dma_semaphore, #tpu.memory_space<semaphore_mem>>)
      %dma_wait3A = arith.constant 0 : i32
      %dma_wait3A_70 = tpu.memref_slice %arg11[%add3A_8, %dma_wait3A] : memref<10240x128xf32, #tpu.memory_space<vmem_shared>> -> memref<128x128xf32, #tpu.memory_space<vmem_shared>>
      %dma_wait3A_71 = arith.constant 0 : i32
      %dma_wait3A_72 = tpu.memref_slice %arg11[%add3A_8, %dma_wait3A_71] : memref<10240x128xf32, #tpu.memory_space<vmem_shared>> -> memref<128x128xf32, #tpu.memory_space<vmem_shared>>
      tpu.wait_dma2 semaphore(%run_scoped3A : memref<!tpu.dma_semaphore, #tpu.memory_space<semaphore_mem>>) src(%arg9 : memref<128x128xf32, #tpu.memory_space<vmem>>) dst(%dma_wait3A_72 : memref<128x128xf32, #tpu.memory_space<vmem_shared>>)
      tpu.yield
    }) : () -> ()
    %mul3A_9 = arith.constant 640 : i32
    %mul3A_10 = arith.muli %arg1, %mul3A_9 : i32
    %add3A_11 = arith.constant 128 : i32
    %add3A_12 = arith.addi %mul3A_10, %add3A_11 : i32
    "tpu.region"() ({
      %run_scoped3A = tpu.sem_alloc : memref<!tpu.dma_semaphore, #tpu.memory_space<semaphore_mem>>
      %dma_start3A = arith.constant 0 : i32
      %dma_start3A_67 = tpu.memref_slice %arg11[%add3A_12, %dma_start3A] : memref<10240x128xf32, #tpu.memory_space<vmem_shared>> -> memref<128x128xf32, #tpu.memory_space<vmem_shared>>
      %dma_start3A_68 = arith.constant 0 : i32
      %dma_start3A_69 = tpu.memref_slice %arg11[%add3A_12, %dma_start3A_68] : memref<10240x128xf32, #tpu.memory_space<vmem_shared>> -> memref<128x128xf32, #tpu.memory_space<vmem_shared>>
      tpu.enqueue_dma source(%arg9 : memref<128x128xf32, #tpu.memory_space<vmem>>) target(%dma_start3A_69 : memref<128x128xf32, #tpu.memory_space<vmem_shared>>) target_semaphore(%run_scoped3A : memref<!tpu.dma_semaphore, #tpu.memory_space<semaphore_mem>>)
      %dma_wait3A = arith.constant 0 : i32
      %dma_wait3A_70 = tpu.memref_slice %arg11[%add3A_12, %dma_wait3A] : memref<10240x128xf32, #tpu.memory_space<vmem_shared>> -> memref<128x128xf32, #tpu.memory_space<vmem_shared>>
      %dma_wait3A_71 = arith.constant 0 : i32
      %dma_wait3A_72 = tpu.memref_slice %arg11[%add3A_12, %dma_wait3A_71] : memref<10240x128xf32, #tpu.memory_space<vmem_shared>> -> memref<128x128xf32, #tpu.memory_space<vmem_shared>>
      tpu.wait_dma2 semaphore(%run_scoped3A : memref<!tpu.dma_semaphore, #tpu.memory_space<semaphore_mem>>) src(%arg9 : memref<128x128xf32, #tpu.memory_space<vmem>>) dst(%dma_wait3A_72 : memref<128x128xf32, #tpu.memory_space<vmem_shared>>)
      tpu.yield
    }) : () -> ()
    %mul3A_13 = arith.constant 640 : i32
    %mul3A_14 = arith.muli %arg1, %mul3A_13 : i32
    %add3A_15 = arith.constant 256 : i32
    %add3A_16 = arith.addi %mul3A_14, %add3A_15 : i32
    "tpu.region"() ({
      %run_scoped3A = tpu.sem_alloc : memref<!tpu.dma_semaphore, #tpu.memory_space<semaphore_mem>>
      %dma_start3A = arith.constant 0 : i32
      %dma_start3A_67 = tpu.memref_slice %arg11[%add3A_16, %dma_start3A] : memref<10240x128xf32, #tpu.memory_space<vmem_shared>> -> memref<128x128xf32, #tpu.memory_space<vmem_shared>>
      %dma_start3A_68 = arith.constant 0 : i32
      %dma_start3A_69 = tpu.memref_slice %arg11[%add3A_16, %dma_start3A_68] : memref<10240x128xf32, #tpu.memory_space<vmem_shared>> -> memref<128x128xf32, #tpu.memory_space<vmem_shared>>
      tpu.enqueue_dma source(%arg9 : memref<128x128xf32, #tpu.memory_space<vmem>>) target(%dma_start3A_69 : memref<128x128xf32, #tpu.memory_space<vmem_shared>>) target_semaphore(%run_scoped3A : memref<!tpu.dma_semaphore, #tpu.memory_space<semaphore_mem>>)
      %dma_wait3A = arith.constant 0 : i32
      %dma_wait3A_70 = tpu.memref_slice %arg11[%add3A_16, %dma_wait3A] : memref<10240x128xf32, #tpu.memory_space<vmem_shared>> -> memref<128x128xf32, #tpu.memory_space<vmem_shared>>
      %dma_wait3A_71 = arith.constant 0 : i32
      %dma_wait3A_72 = tpu.memref_slice %arg11[%add3A_16, %dma_wait3A_71] : memref<10240x128xf32, #tpu.memory_space<vmem_shared>> -> memref<128x128xf32, #tpu.memory_space<vmem_shared>>
      tpu.wait_dma2 semaphore(%run_scoped3A : memref<!tpu.dma_semaphore, #tpu.memory_space<semaphore_mem>>) src(%arg9 : memref<128x128xf32, #tpu.memory_space<vmem>>) dst(%dma_wait3A_72 : memref<128x128xf32, #tpu.memory_space<vmem_shared>>)
      tpu.yield
    }) : () -> ()
    %mul3A_17 = arith.constant 640 : i32
    %mul3A_18 = arith.muli %arg1, %mul3A_17 : i32
    %add3A_19 = arith.constant 384 : i32
    %add3A_20 = arith.addi %mul3A_18, %add3A_19 : i32
    "tpu.region"() ({
      %run_scoped3A = tpu.sem_alloc : memref<!tpu.dma_semaphore, #tpu.memory_space<semaphore_mem>>
      %dma_start3A = arith.constant 0 : i32
      %dma_start3A_67 = tpu.memref_slice %arg11[%add3A_20, %dma_start3A] : memref<10240x128xf32, #tpu.memory_space<vmem_shared>> -> memref<128x128xf32, #tpu.memory_space<vmem_shared>>
      %dma_start3A_68 = arith.constant 0 : i32
      %dma_start3A_69 = tpu.memref_slice %arg11[%add3A_20, %dma_start3A_68] : memref<10240x128xf32, #tpu.memory_space<vmem_shared>> -> memref<128x128xf32, #tpu.memory_space<vmem_shared>>
      tpu.enqueue_dma source(%arg9 : memref<128x128xf32, #tpu.memory_space<vmem>>) target(%dma_start3A_69 : memref<128x128xf32, #tpu.memory_space<vmem_shared>>) target_semaphore(%run_scoped3A : memref<!tpu.dma_semaphore, #tpu.memory_space<semaphore_mem>>)
      %dma_wait3A = arith.constant 0 : i32
      %dma_wait3A_70 = tpu.memref_slice %arg11[%add3A_20, %dma_wait3A] : memref<10240x128xf32, #tpu.memory_space<vmem_shared>> -> memref<128x128xf32, #tpu.memory_space<vmem_shared>>
      %dma_wait3A_71 = arith.constant 0 : i32
      %dma_wait3A_72 = tpu.memref_slice %arg11[%add3A_20, %dma_wait3A_71] : memref<10240x128xf32, #tpu.memory_space<vmem_shared>> -> memref<128x128xf32, #tpu.memory_space<vmem_shared>>
      tpu.wait_dma2 semaphore(%run_scoped3A : memref<!tpu.dma_semaphore, #tpu.memory_space<semaphore_mem>>) src(%arg9 : memref<128x128xf32, #tpu.memory_space<vmem>>) dst(%dma_wait3A_72 : memref<128x128xf32, #tpu.memory_space<vmem_shared>>)
      tpu.yield
    }) : () -> ()
    %mul3A_21 = arith.constant 640 : i32
    %mul3A_22 = arith.muli %arg1, %mul3A_21 : i32
    %add3A_23 = arith.constant 512 : i32
    %add3A_24 = arith.addi %mul3A_22, %add3A_23 : i32
    "tpu.region"() ({
      %run_scoped3A = tpu.sem_alloc : memref<!tpu.dma_semaphore, #tpu.memory_space<semaphore_mem>>
      %dma_start3A = arith.constant 0 : i32
      %dma_start3A_67 = tpu.memref_slice %arg11[%add3A_24, %dma_start3A] : memref<10240x128xf32, #tpu.memory_space<vmem_shared>> -> memref<128x128xf32, #tpu.memory_space<vmem_shared>>
      %dma_start3A_68 = arith.constant 0 : i32
      %dma_start3A_69 = tpu.memref_slice %arg11[%add3A_24, %dma_start3A_68] : memref<10240x128xf32, #tpu.memory_space<vmem_shared>> -> memref<128x128xf32, #tpu.memory_space<vmem_shared>>
      tpu.enqueue_dma source(%arg9 : memref<128x128xf32, #tpu.memory_space<vmem>>) target(%dma_start3A_69 : memref<128x128xf32, #tpu.memory_space<vmem_shared>>) target_semaphore(%run_scoped3A : memref<!tpu.dma_semaphore, #tpu.memory_space<semaphore_mem>>)
      %dma_wait3A = arith.constant 0 : i32
      %dma_wait3A_70 = tpu.memref_slice %arg11[%add3A_24, %dma_wait3A] : memref<10240x128xf32, #tpu.memory_space<vmem_shared>> -> memref<128x128xf32, #tpu.memory_space<vmem_shared>>
      %dma_wait3A_71 = arith.constant 0 : i32
      %dma_wait3A_72 = tpu.memref_slice %arg11[%add3A_24, %dma_wait3A_71] : memref<10240x128xf32, #tpu.memory_space<vmem_shared>> -> memref<128x128xf32, #tpu.memory_space<vmem_shared>>
      tpu.wait_dma2 semaphore(%run_scoped3A : memref<!tpu.dma_semaphore, #tpu.memory_space<semaphore_mem>>) src(%arg9 : memref<128x128xf32, #tpu.memory_space<vmem>>) dst(%dma_wait3A_72 : memref<128x128xf32, #tpu.memory_space<vmem_shared>>)
      tpu.yield
    }) : () -> ()
    %barrier3A = arith.constant 0 : index
    tpu.barrier barrier_id(%barrier3A)
    %add3A_25 = arith.constant 0 : i32
    %add3A_26 = arith.addi %add3A_25, %add3A : i32
    %lt3A = arith.constant 2500 : i32
    %lt3A_27 = arith.cmpi slt, %add3A_26, %lt3A : i32
    %convert_element_type3A = arith.extui %lt3A_27 : i1 to i32
    %cond3A = arith.constant 0 : i32
    %cond3A_28 = arith.cmpi ne, %convert_element_type3A, %cond3A : i32
    scf.if %cond3A_28 {
      %mul3A_67 = arith.constant 128 : i32
      %mul3A_68 = arith.muli %add3A_26, %mul3A_67 : i32
      %dma_start3A = arith.constant 0 : i32
      %dma_start3A_69 = tpu.memref_slice %arg3[%dma_start3A, %mul3A_68] : memref<2x320000xi32, #tpu.memory_space<hbm>> -> memref<2x128xi32, #tpu.memory_space<hbm>>
      %dma_start3A_70 = arith.constant 0 : i32
      %dma_start3A_71 = tpu.memref_slice %arg3[%dma_start3A_70, %mul3A_68] : memref<2x320000xi32, #tpu.memory_space<hbm>> -> memref<2x128xi32, #tpu.memory_space<hbm>>
      tpu.enqueue_dma source(%dma_start3A_71 : memref<2x128xi32, #tpu.memory_space<hbm>>) target(%arg5 : memref<2x128xi32, #tpu.memory_space<vmem>>) target_semaphore(%arg14 : memref<!tpu.dma_semaphore, #tpu.memory_space<semaphore_mem>>)
    } else {
    }
    %add3A_29 = arith.constant 32 : i32
    %add3A_30 = arith.addi %add3A_29, %add3A : i32
    %lt3A_31 = arith.constant 2500 : i32
    %lt3A_32 = arith.cmpi slt, %add3A_30, %lt3A_31 : i32
    %convert_element_type3A_33 = arith.extui %lt3A_32 : i1 to i32
    %cond3A_34 = arith.constant 0 : i32
    %cond3A_35 = arith.cmpi ne, %convert_element_type3A_33, %cond3A_34 : i32
    scf.if %cond3A_35 {
      %mul3A_67 = arith.constant 128 : i32
      %mul3A_68 = arith.muli %add3A_30, %mul3A_67 : i32
      %dma_start3A = arith.constant 0 : i32
      %dma_start3A_69 = tpu.memref_slice %arg3[%dma_start3A, %mul3A_68] : memref<2x320000xi32, #tpu.memory_space<hbm>> -> memref<2x128xi32, #tpu.memory_space<hbm>>
      %dma_start3A_70 = arith.constant 0 : i32
      %dma_start3A_71 = tpu.memref_slice %arg3[%dma_start3A_70, %mul3A_68] : memref<2x320000xi32, #tpu.memory_space<hbm>> -> memref<2x128xi32, #tpu.memory_space<hbm>>
      tpu.enqueue_dma source(%dma_start3A_71 : memref<2x128xi32, #tpu.memory_space<hbm>>) target(%arg6 : memref<2x128xi32, #tpu.memory_space<vmem>>) target_semaphore(%arg15 : memref<!tpu.dma_semaphore, #tpu.memory_space<semaphore_mem>>)
    } else {
    }
    %add3A_36 = arith.constant 64 : i32
    %add3A_37 = arith.addi %add3A_36, %add3A : i32
    %lt3A_38 = arith.constant 2500 : i32
    %lt3A_39 = arith.cmpi slt, %add3A_37, %lt3A_38 : i32
    %convert_element_type3A_40 = arith.extui %lt3A_39 : i1 to i32
    %cond3A_41 = arith.constant 0 : i32
    %cond3A_42 = arith.cmpi ne, %convert_element_type3A_40, %cond3A_41 : i32
    scf.if %cond3A_42 {
      %mul3A_67 = arith.constant 128 : i32
      %mul3A_68 = arith.muli %add3A_37, %mul3A_67 : i32
      %dma_start3A = arith.constant 0 : i32
      %dma_start3A_69 = tpu.memref_slice %arg3[%dma_start3A, %mul3A_68] : memref<2x320000xi32, #tpu.memory_space<hbm>> -> memref<2x128xi32, #tpu.memory_space<hbm>>
      %dma_start3A_70 = arith.constant 0 : i32
      %dma_start3A_71 = tpu.memref_slice %arg3[%dma_start3A_70, %mul3A_68] : memref<2x320000xi32, #tpu.memory_space<hbm>> -> memref<2x128xi32, #tpu.memory_space<hbm>>
      tpu.enqueue_dma source(%dma_start3A_71 : memref<2x128xi32, #tpu.memory_space<hbm>>) target(%arg7 : memref<2x128xi32, #tpu.memory_space<vmem>>) target_semaphore(%arg16 : memref<!tpu.dma_semaphore, #tpu.memory_space<semaphore_mem>>)
    } else {
    }
    %add3A_43 = arith.constant 96 : i32
    %add3A_44 = arith.addi %add3A_43, %add3A : i32
    %lt3A_45 = arith.constant 2500 : i32
    %lt3A_46 = arith.cmpi slt, %add3A_44, %lt3A_45 : i32
    %convert_element_type3A_47 = arith.extui %lt3A_46 : i1 to i32
    %cond3A_48 = arith.constant 0 : i32
    %cond3A_49 = arith.cmpi ne, %convert_element_type3A_47, %cond3A_48 : i32
    scf.if %cond3A_49 {
      %mul3A_67 = arith.constant 128 : i32
      %mul3A_68 = arith.muli %add3A_44, %mul3A_67 : i32
      %dma_start3A = arith.constant 0 : i32
      %dma_start3A_69 = tpu.memref_slice %arg3[%dma_start3A, %mul3A_68] : memref<2x320000xi32, #tpu.memory_space<hbm>> -> memref<2x128xi32, #tpu.memory_space<hbm>>
      %dma_start3A_70 = arith.constant 0 : i32
      %dma_start3A_71 = tpu.memref_slice %arg3[%dma_start3A_70, %mul3A_68] : memref<2x320000xi32, #tpu.memory_space<hbm>> -> memref<2x128xi32, #tpu.memory_space<hbm>>
      tpu.enqueue_dma source(%dma_start3A_71 : memref<2x128xi32, #tpu.memory_space<hbm>>) target(%arg8 : memref<2x128xi32, #tpu.memory_space<vmem>>) target_semaphore(%arg17 : memref<!tpu.dma_semaphore, #tpu.memory_space<semaphore_mem>>)
    } else {
    }
    %add3A_50 = arith.constant 0 : i32
    %add3A_51 = arith.addi %add3A_50, %add3A : i32
    %lt3A_52 = arith.constant 2500 : i32
    %lt3A_53 = arith.cmpi slt, %add3A_51, %lt3A_52 : i32
    %convert_element_type3A_54 = arith.extui %lt3A_53 : i1 to i32
    %cond3A_55 = arith.constant 0 : i32
    %cond3A_56 = arith.cmpi ne, %convert_element_type3A_54, %cond3A_55 : i32
    scf.if %cond3A_56 {
      %mul3A_67 = arith.constant 128 : i32
      %mul3A_68 = arith.muli %add3A_51, %mul3A_67 : i32
      %dma_wait3A = arith.constant 0 : i32
      %dma_wait3A_69 = tpu.memref_slice %arg3[%dma_wait3A, %mul3A_68] : memref<2x320000xi32, #tpu.memory_space<hbm>> -> memref<2x128xi32, #tpu.memory_space<hbm>>
      %dma_wait3A_70 = arith.constant 0 : i32
      %dma_wait3A_71 = tpu.memref_slice %arg3[%dma_wait3A_70, %mul3A_68] : memref<2x320000xi32, #tpu.memory_space<hbm>> -> memref<2x128xi32, #tpu.memory_space<hbm>>
      tpu.wait_dma2 semaphore(%arg14 : memref<!tpu.dma_semaphore, #tpu.memory_space<semaphore_mem>>) src(%dma_wait3A_71 : memref<2x128xi32, #tpu.memory_space<hbm>>) dst(%arg5 : memref<2x128xi32, #tpu.memory_space<vmem>>)
      %dma_start3A = arith.constant 1 : i32
      %dma_start3A_72 = arith.constant 0 : i32
      %dma_start3A_73 = tpu.memref_slice %arg5[%dma_start3A, %dma_start3A_72] : memref<2x128xi32, #tpu.memory_space<vmem>> -> memref<1x128xi32, #tpu.memory_space<vmem>>
      %dma_start3A_74 = tpu.memref_squeeze %dma_start3A_73 : memref<1x128xi32, #tpu.memory_space<vmem>> -> memref<128xi32, #tpu.memory_space<vmem>>
      %dma_start3A_75 = arith.constant 0 : i32
      %dma_start3A_76 = arith.constant 0 : i32
      %dma_start3A_77 = tpu.memref_slice %arg2[%dma_start3A_75, %dma_start3A_76] : memref<10000x128xf32, #tpu.memory_space<hbm>> -> memref<10000x128xf32, #tpu.memory_space<hbm>>
      tpu.enqueue_indirect_dma source(%dma_start3A_77 : memref<10000x128xf32, #tpu.memory_space<hbm>>) target(%arg9 : memref<128x128xf32, #tpu.memory_space<vmem>>) offsets(%dma_start3A_74 : memref<128xi32, #tpu.memory_space<vmem>>) semaphore(%arg12 : memref<!tpu.dma_semaphore, #tpu.memory_space<semaphore_mem>>)
    } else {
    }
    %scan3A_57 = arith.constant 0 : i32
    %scan3A_58 = arith.constant 20 : i32
    %scan3A_59 = arith.addi %scan3A_57, %scan3A_58 : i32
    %scan3A_60 = arith.constant 1 : i32
    scf.for %scan3A_67 = %scan3A_57 to %scan3A_59 step %scan3A_60  : i32 {
      %mul3A_68 = arith.constant 4 : i32
      %mul3A_69 = arith.muli %scan3A_67, %mul3A_68 : i32
      %add3A_70 = arith.constant 0 : i32
      %add3A_71 = arith.addi %add3A_70, %mul3A_69 : i32
      %add3A_72 = arith.constant 1 : i32
      %add3A_73 = arith.addi %add3A_71, %add3A_72 : i32
      %mul3A_74 = arith.constant 32 : i32
      %mul3A_75 = arith.muli %add3A_73, %mul3A_74 : i32
      %add3A_76 = arith.addi %mul3A_75, %add3A : i32
      %lt3A_77 = arith.constant 2500 : i32
      %lt3A_78 = arith.cmpi slt, %add3A_76, %lt3A_77 : i32
      %convert_element_type3A_79 = arith.extui %lt3A_78 : i1 to i32
      %cond3A_80 = arith.constant 0 : i32
      %cond3A_81 = arith.cmpi ne, %convert_element_type3A_79, %cond3A_80 : i32
      scf.if %cond3A_81 {
        %mul3A_190 = arith.constant 128 : i32
        %mul3A_191 = arith.muli %add3A_76, %mul3A_190 : i32
        %dma_wait3A = arith.constant 0 : i32
        %dma_wait3A_192 = tpu.memref_slice %arg3[%dma_wait3A, %mul3A_191] : memref<2x320000xi32, #tpu.memory_space<hbm>> -> memref<2x128xi32, #tpu.memory_space<hbm>>
        %dma_wait3A_193 = arith.constant 0 : i32
        %dma_wait3A_194 = tpu.memref_slice %arg3[%dma_wait3A_193, %mul3A_191] : memref<2x320000xi32, #tpu.memory_space<hbm>> -> memref<2x128xi32, #tpu.memory_space<hbm>>
        tpu.wait_dma2 semaphore(%arg15 : memref<!tpu.dma_semaphore, #tpu.memory_space<semaphore_mem>>) src(%dma_wait3A_194 : memref<2x128xi32, #tpu.memory_space<hbm>>) dst(%arg6 : memref<2x128xi32, #tpu.memory_space<vmem>>)
        %dma_start3A = arith.constant 1 : i32
        %dma_start3A_195 = arith.constant 0 : i32
        %dma_start3A_196 = tpu.memref_slice %arg6[%dma_start3A, %dma_start3A_195] : memref<2x128xi32, #tpu.memory_space<vmem>> -> memref<1x128xi32, #tpu.memory_space<vmem>>
        %dma_start3A_197 = tpu.memref_squeeze %dma_start3A_196 : memref<1x128xi32, #tpu.memory_space<vmem>> -> memref<128xi32, #tpu.memory_space<vmem>>
        %dma_start3A_198 = arith.constant 0 : i32
        %dma_start3A_199 = arith.constant 0 : i32
        %dma_start3A_200 = tpu.memref_slice %arg2[%dma_start3A_198, %dma_start3A_199] : memref<10000x128xf32, #tpu.memory_space<hbm>> -> memref<10000x128xf32, #tpu.memory_space<hbm>>
        tpu.enqueue_indirect_dma source(%dma_start3A_200 : memref<10000x128xf32, #tpu.memory_space<hbm>>) target(%arg10 : memref<128x128xf32, #tpu.memory_space<vmem>>) offsets(%dma_start3A_197 : memref<128xi32, #tpu.memory_space<vmem>>) semaphore(%arg13 : memref<!tpu.dma_semaphore, #tpu.memory_space<semaphore_mem>>)
      } else {
      }
      %mul3A_82 = arith.constant 32 : i32
      %mul3A_83 = arith.muli %add3A_71, %mul3A_82 : i32
      %add3A_84 = arith.addi %mul3A_83, %add3A : i32
      %lt3A_85 = arith.constant 2500 : i32
      %lt3A_86 = arith.cmpi slt, %add3A_84, %lt3A_85 : i32
      %convert_element_type3A_87 = arith.extui %lt3A_86 : i1 to i32
      %cond3A_88 = arith.constant 0 : i32
      %cond3A_89 = arith.cmpi ne, %convert_element_type3A_87, %cond3A_88 : i32
      scf.if %cond3A_89 {
        %dma_wait3A = arith.constant 1 : i32
        %dma_wait3A_190 = arith.constant 0 : i32
        %dma_wait3A_191 = tpu.memref_slice %arg5[%dma_wait3A, %dma_wait3A_190] : memref<2x128xi32, #tpu.memory_space<vmem>> -> memref<1x128xi32, #tpu.memory_space<vmem>>
        %dma_wait3A_192 = tpu.memref_squeeze %dma_wait3A_191 : memref<1x128xi32, #tpu.memory_space<vmem>> -> memref<128xi32, #tpu.memory_space<vmem>>
        %dma_wait3A_193 = arith.constant 0 : i32
        %dma_wait3A_194 = arith.constant 0 : i32
        %dma_wait3A_195 = tpu.memref_slice %arg2[%dma_wait3A_193, %dma_wait3A_194] : memref<10000x128xf32, #tpu.memory_space<hbm>> -> memref<10000x128xf32, #tpu.memory_space<hbm>>
        tpu.wait_indirect_dma semaphore(%arg12 : memref<!tpu.dma_semaphore, #tpu.memory_space<semaphore_mem>>) src(%dma_wait3A_195 : memref<10000x128xf32, #tpu.memory_space<hbm>>) dst(%arg9 : memref<128x128xf32, #tpu.memory_space<vmem>>)
        %run_scoped3A = arith.constant 0 : i32
        "tpu.region"() ({
          %run_scoped3A_196 = tpu.sem_alloc : memref<!tpu.dma_semaphore, #tpu.memory_space<semaphore_mem>>
          %dma_start3A = arith.constant 0 : i32
          %dma_start3A_197 = tpu.memref_slice %arg5[%run_scoped3A, %dma_start3A] : memref<2x128xi32, #tpu.memory_space<vmem>> -> memref<1x128xi32, #tpu.memory_space<vmem>>
          %dma_start3A_198 = tpu.memref_squeeze %dma_start3A_197 : memref<1x128xi32, #tpu.memory_space<vmem>> -> memref<128xi32, #tpu.memory_space<vmem>>
          %dma_start3A_199 = arith.constant 0 : i32
          %dma_start3A_200 = arith.constant 0 : i32
          %dma_start3A_201 = tpu.memref_slice %arg11[%dma_start3A_199, %dma_start3A_200] : memref<10240x128xf32, #tpu.memory_space<vmem_shared>> -> memref<10240x128xf32, #tpu.memory_space<vmem_shared>>
          tpu.enqueue_indirect_dma source(%arg9 : memref<128x128xf32, #tpu.memory_space<vmem>>) target(%dma_start3A_201 : memref<10240x128xf32, #tpu.memory_space<vmem_shared>>) offsets(%dma_start3A_198 : memref<128xi32, #tpu.memory_space<vmem>>) semaphore(%run_scoped3A_196 : memref<!tpu.dma_semaphore, #tpu.memory_space<semaphore_mem>>) {add = true}
          %dma_wait3A_202 = arith.constant 0 : i32
          %dma_wait3A_203 = tpu.memref_slice %arg5[%run_scoped3A, %dma_wait3A_202] : memref<2x128xi32, #tpu.memory_space<vmem>> -> memref<1x128xi32, #tpu.memory_space<vmem>>
          %dma_wait3A_204 = tpu.memref_squeeze %dma_wait3A_203 : memref<1x128xi32, #tpu.memory_space<vmem>> -> memref<128xi32, #tpu.memory_space<vmem>>
          %dma_wait3A_205 = arith.constant 0 : i32
          %dma_wait3A_206 = arith.constant 0 : i32
          %dma_wait3A_207 = tpu.memref_slice %arg11[%dma_wait3A_205, %dma_wait3A_206] : memref<10240x128xf32, #tpu.memory_space<vmem_shared>> -> memref<10240x128xf32, #tpu.memory_space<vmem_shared>>
          tpu.wait_indirect_dma semaphore(%run_scoped3A_196 : memref<!tpu.dma_semaphore, #tpu.memory_space<semaphore_mem>>) src(%arg9 : memref<128x128xf32, #tpu.memory_space<vmem>>) dst(%dma_wait3A_207 : memref<10240x128xf32, #tpu.memory_space<vmem_shared>>)
          tpu.yield
        }) : () -> ()
      } else {
      }
      %add3A_90 = arith.constant 4 : i32
      %add3A_91 = arith.addi %add3A_71, %add3A_90 : i32
      %mul3A_92 = arith.constant 32 : i32
      %mul3A_93 = arith.muli %add3A_91, %mul3A_92 : i32
      %add3A_94 = arith.addi %mul3A_93, %add3A : i32
      %lt3A_95 = arith.constant 2500 : i32
      %lt3A_96 = arith.cmpi slt, %add3A_94, %lt3A_95 : i32
      %convert_element_type3A_97 = arith.extui %lt3A_96 : i1 to i32
      %cond3A_98 = arith.constant 0 : i32
      %cond3A_99 = arith.cmpi ne, %convert_element_type3A_97, %cond3A_98 : i32
      scf.if %cond3A_99 {
        %mul3A_190 = arith.constant 128 : i32
        %mul3A_191 = arith.muli %add3A_94, %mul3A_190 : i32
        %dma_start3A = arith.constant 0 : i32
        %dma_start3A_192 = tpu.memref_slice %arg3[%dma_start3A, %mul3A_191] : memref<2x320000xi32, #tpu.memory_space<hbm>> -> memref<2x128xi32, #tpu.memory_space<hbm>>
        %dma_start3A_193 = arith.constant 0 : i32
        %dma_start3A_194 = tpu.memref_slice %arg3[%dma_start3A_193, %mul3A_191] : memref<2x320000xi32, #tpu.memory_space<hbm>> -> memref<2x128xi32, #tpu.memory_space<hbm>>
        tpu.enqueue_dma source(%dma_start3A_194 : memref<2x128xi32, #tpu.memory_space<hbm>>) target(%arg5 : memref<2x128xi32, #tpu.memory_space<vmem>>) target_semaphore(%arg14 : memref<!tpu.dma_semaphore, #tpu.memory_space<semaphore_mem>>)
      } else {
      }
      %add3A_100 = arith.constant 2 : i32
      %add3A_101 = arith.addi %add3A_71, %add3A_100 : i32
      %mul3A_102 = arith.constant 32 : i32
      %mul3A_103 = arith.muli %add3A_101, %mul3A_102 : i32
      %add3A_104 = arith.addi %mul3A_103, %add3A : i32
      %lt3A_105 = arith.constant 2500 : i32
      %lt3A_106 = arith.cmpi slt, %add3A_104, %lt3A_105 : i32
      %convert_element_type3A_107 = arith.extui %lt3A_106 : i1 to i32
      %cond3A_108 = arith.constant 0 : i32
      %cond3A_109 = arith.cmpi ne, %convert_element_type3A_107, %cond3A_108 : i32
      scf.if %cond3A_109 {
        %mul3A_190 = arith.constant 128 : i32
        %mul3A_191 = arith.muli %add3A_104, %mul3A_190 : i32
        %dma_wait3A = arith.constant 0 : i32
        %dma_wait3A_192 = tpu.memref_slice %arg3[%dma_wait3A, %mul3A_191] : memref<2x320000xi32, #tpu.memory_space<hbm>> -> memref<2x128xi32, #tpu.memory_space<hbm>>
        %dma_wait3A_193 = arith.constant 0 : i32
        %dma_wait3A_194 = tpu.memref_slice %arg3[%dma_wait3A_193, %mul3A_191] : memref<2x320000xi32, #tpu.memory_space<hbm>> -> memref<2x128xi32, #tpu.memory_space<hbm>>
        tpu.wait_dma2 semaphore(%arg16 : memref<!tpu.dma_semaphore, #tpu.memory_space<semaphore_mem>>) src(%dma_wait3A_194 : memref<2x128xi32, #tpu.memory_space<hbm>>) dst(%arg7 : memref<2x128xi32, #tpu.memory_space<vmem>>)
        %dma_start3A = arith.constant 1 : i32
        %dma_start3A_195 = arith.constant 0 : i32
        %dma_start3A_196 = tpu.memref_slice %arg7[%dma_start3A, %dma_start3A_195] : memref<2x128xi32, #tpu.memory_space<vmem>> -> memref<1x128xi32, #tpu.memory_space<vmem>>
        %dma_start3A_197 = tpu.memref_squeeze %dma_start3A_196 : memref<1x128xi32, #tpu.memory_space<vmem>> -> memref<128xi32, #tpu.memory_space<vmem>>
        %dma_start3A_198 = arith.constant 0 : i32
        %dma_start3A_199 = arith.constant 0 : i32
        %dma_start3A_200 = tpu.memref_slice %arg2[%dma_start3A_198, %dma_start3A_199] : memref<10000x128xf32, #tpu.memory_space<hbm>> -> memref<10000x128xf32, #tpu.memory_space<hbm>>
        tpu.enqueue_indirect_dma source(%dma_start3A_200 : memref<10000x128xf32, #tpu.memory_space<hbm>>) target(%arg9 : memref<128x128xf32, #tpu.memory_space<vmem>>) offsets(%dma_start3A_197 : memref<128xi32, #tpu.memory_space<vmem>>) semaphore(%arg12 : memref<!tpu.dma_semaphore, #tpu.memory_space<semaphore_mem>>)
      } else {
      }
      %add3A_110 = arith.constant 1 : i32
      %add3A_111 = arith.addi %add3A_71, %add3A_110 : i32
      %mul3A_112 = arith.constant 32 : i32
      %mul3A_113 = arith.muli %add3A_111, %mul3A_112 : i32
      %add3A_114 = arith.addi %mul3A_113, %add3A : i32
      %lt3A_115 = arith.constant 2500 : i32
      %lt3A_116 = arith.cmpi slt, %add3A_114, %lt3A_115 : i32
      %convert_element_type3A_117 = arith.extui %lt3A_116 : i1 to i32
      %cond3A_118 = arith.constant 0 : i32
      %cond3A_119 = arith.cmpi ne, %convert_element_type3A_117, %cond3A_118 : i32
      scf.if %cond3A_119 {
        %dma_wait3A = arith.constant 1 : i32
        %dma_wait3A_190 = arith.constant 0 : i32
        %dma_wait3A_191 = tpu.memref_slice %arg6[%dma_wait3A, %dma_wait3A_190] : memref<2x128xi32, #tpu.memory_space<vmem>> -> memref<1x128xi32, #tpu.memory_space<vmem>>
        %dma_wait3A_192 = tpu.memref_squeeze %dma_wait3A_191 : memref<1x128xi32, #tpu.memory_space<vmem>> -> memref<128xi32, #tpu.memory_space<vmem>>
        %dma_wait3A_193 = arith.constant 0 : i32
        %dma_wait3A_194 = arith.constant 0 : i32
        %dma_wait3A_195 = tpu.memref_slice %arg2[%dma_wait3A_193, %dma_wait3A_194] : memref<10000x128xf32, #tpu.memory_space<hbm>> -> memref<10000x128xf32, #tpu.memory_space<hbm>>
        tpu.wait_indirect_dma semaphore(%arg13 : memref<!tpu.dma_semaphore, #tpu.memory_space<semaphore_mem>>) src(%dma_wait3A_195 : memref<10000x128xf32, #tpu.memory_space<hbm>>) dst(%arg10 : memref<128x128xf32, #tpu.memory_space<vmem>>)
        %run_scoped3A = arith.constant 0 : i32
        "tpu.region"() ({
          %run_scoped3A_196 = tpu.sem_alloc : memref<!tpu.dma_semaphore, #tpu.memory_space<semaphore_mem>>
          %dma_start3A = arith.constant 0 : i32
          %dma_start3A_197 = tpu.memref_slice %arg6[%run_scoped3A, %dma_start3A] : memref<2x128xi32, #tpu.memory_space<vmem>> -> memref<1x128xi32, #tpu.memory_space<vmem>>
          %dma_start3A_198 = tpu.memref_squeeze %dma_start3A_197 : memref<1x128xi32, #tpu.memory_space<vmem>> -> memref<128xi32, #tpu.memory_space<vmem>>
          %dma_start3A_199 = arith.constant 0 : i32
          %dma_start3A_200 = arith.constant 0 : i32
          %dma_start3A_201 = tpu.memref_slice %arg11[%dma_start3A_199, %dma_start3A_200] : memref<10240x128xf32, #tpu.memory_space<vmem_shared>> -> memref<10240x128xf32, #tpu.memory_space<vmem_shared>>
          tpu.enqueue_indirect_dma source(%arg10 : memref<128x128xf32, #tpu.memory_space<vmem>>) target(%dma_start3A_201 : memref<10240x128xf32, #tpu.memory_space<vmem_shared>>) offsets(%dma_start3A_198 : memref<128xi32, #tpu.memory_space<vmem>>) semaphore(%run_scoped3A_196 : memref<!tpu.dma_semaphore, #tpu.memory_space<semaphore_mem>>) {add = true}
          %dma_wait3A_202 = arith.constant 0 : i32
          %dma_wait3A_203 = tpu.memref_slice %arg6[%run_scoped3A, %dma_wait3A_202] : memref<2x128xi32, #tpu.memory_space<vmem>> -> memref<1x128xi32, #tpu.memory_space<vmem>>
          %dma_wait3A_204 = tpu.memref_squeeze %dma_wait3A_203 : memref<1x128xi32, #tpu.memory_space<vmem>> -> memref<128xi32, #tpu.memory_space<vmem>>
          %dma_wait3A_205 = arith.constant 0 : i32
          %dma_wait3A_206 = arith.constant 0 : i32
          %dma_wait3A_207 = tpu.memref_slice %arg11[%dma_wait3A_205, %dma_wait3A_206] : memref<10240x128xf32, #tpu.memory_space<vmem_shared>> -> memref<10240x128xf32, #tpu.memory_space<vmem_shared>>
          tpu.wait_indirect_dma semaphore(%run_scoped3A_196 : memref<!tpu.dma_semaphore, #tpu.memory_space<semaphore_mem>>) src(%arg10 : memref<128x128xf32, #tpu.memory_space<vmem>>) dst(%dma_wait3A_207 : memref<10240x128xf32, #tpu.memory_space<vmem_shared>>)
          tpu.yield
        }) : () -> ()
      } else {
      }
      %add3A_120 = arith.constant 5 : i32
      %add3A_121 = arith.addi %add3A_71, %add3A_120 : i32
      %mul3A_122 = arith.constant 32 : i32
      %mul3A_123 = arith.muli %add3A_121, %mul3A_122 : i32
      %add3A_124 = arith.addi %mul3A_123, %add3A : i32
      %lt3A_125 = arith.constant 2500 : i32
      %lt3A_126 = arith.cmpi slt, %add3A_124, %lt3A_125 : i32
      %convert_element_type3A_127 = arith.extui %lt3A_126 : i1 to i32
      %cond3A_128 = arith.constant 0 : i32
      %cond3A_129 = arith.cmpi ne, %convert_element_type3A_127, %cond3A_128 : i32
      scf.if %cond3A_129 {
        %mul3A_190 = arith.constant 128 : i32
        %mul3A_191 = arith.muli %add3A_124, %mul3A_190 : i32
        %dma_start3A = arith.constant 0 : i32
        %dma_start3A_192 = tpu.memref_slice %arg3[%dma_start3A, %mul3A_191] : memref<2x320000xi32, #tpu.memory_space<hbm>> -> memref<2x128xi32, #tpu.memory_space<hbm>>
        %dma_start3A_193 = arith.constant 0 : i32
        %dma_start3A_194 = tpu.memref_slice %arg3[%dma_start3A_193, %mul3A_191] : memref<2x320000xi32, #tpu.memory_space<hbm>> -> memref<2x128xi32, #tpu.memory_space<hbm>>
        tpu.enqueue_dma source(%dma_start3A_194 : memref<2x128xi32, #tpu.memory_space<hbm>>) target(%arg6 : memref<2x128xi32, #tpu.memory_space<vmem>>) target_semaphore(%arg15 : memref<!tpu.dma_semaphore, #tpu.memory_space<semaphore_mem>>)
      } else {
      }
      %add3A_130 = arith.constant 3 : i32
      %add3A_131 = arith.addi %add3A_71, %add3A_130 : i32
      %mul3A_132 = arith.constant 32 : i32
      %mul3A_133 = arith.muli %add3A_131, %mul3A_132 : i32
      %add3A_134 = arith.addi %mul3A_133, %add3A : i32
      %lt3A_135 = arith.constant 2500 : i32
      %lt3A_136 = arith.cmpi slt, %add3A_134, %lt3A_135 : i32
      %convert_element_type3A_137 = arith.extui %lt3A_136 : i1 to i32
      %cond3A_138 = arith.constant 0 : i32
      %cond3A_139 = arith.cmpi ne, %convert_element_type3A_137, %cond3A_138 : i32
      scf.if %cond3A_139 {
        %mul3A_190 = arith.constant 128 : i32
        %mul3A_191 = arith.muli %add3A_134, %mul3A_190 : i32
        %dma_wait3A = arith.constant 0 : i32
        %dma_wait3A_192 = tpu.memref_slice %arg3[%dma_wait3A, %mul3A_191] : memref<2x320000xi32, #tpu.memory_space<hbm>> -> memref<2x128xi32, #tpu.memory_space<hbm>>
        %dma_wait3A_193 = arith.constant 0 : i32
        %dma_wait3A_194 = tpu.memref_slice %arg3[%dma_wait3A_193, %mul3A_191] : memref<2x320000xi32, #tpu.memory_space<hbm>> -> memref<2x128xi32, #tpu.memory_space<hbm>>
        tpu.wait_dma2 semaphore(%arg17 : memref<!tpu.dma_semaphore, #tpu.memory_space<semaphore_mem>>) src(%dma_wait3A_194 : memref<2x128xi32, #tpu.memory_space<hbm>>) dst(%arg8 : memref<2x128xi32, #tpu.memory_space<vmem>>)
        %dma_start3A = arith.constant 1 : i32
        %dma_start3A_195 = arith.constant 0 : i32
        %dma_start3A_196 = tpu.memref_slice %arg8[%dma_start3A, %dma_start3A_195] : memref<2x128xi32, #tpu.memory_space<vmem>> -> memref<1x128xi32, #tpu.memory_space<vmem>>
        %dma_start3A_197 = tpu.memref_squeeze %dma_start3A_196 : memref<1x128xi32, #tpu.memory_space<vmem>> -> memref<128xi32, #tpu.memory_space<vmem>>
        %dma_start3A_198 = arith.constant 0 : i32
        %dma_start3A_199 = arith.constant 0 : i32
        %dma_start3A_200 = tpu.memref_slice %arg2[%dma_start3A_198, %dma_start3A_199] : memref<10000x128xf32, #tpu.memory_space<hbm>> -> memref<10000x128xf32, #tpu.memory_space<hbm>>
        tpu.enqueue_indirect_dma source(%dma_start3A_200 : memref<10000x128xf32, #tpu.memory_space<hbm>>) target(%arg10 : memref<128x128xf32, #tpu.memory_space<vmem>>) offsets(%dma_start3A_197 : memref<128xi32, #tpu.memory_space<vmem>>) semaphore(%arg13 : memref<!tpu.dma_semaphore, #tpu.memory_space<semaphore_mem>>)
      } else {
      }
      %add3A_140 = arith.constant 2 : i32
      %add3A_141 = arith.addi %add3A_71, %add3A_140 : i32
      %mul3A_142 = arith.constant 32 : i32
      %mul3A_143 = arith.muli %add3A_141, %mul3A_142 : i32
      %add3A_144 = arith.addi %mul3A_143, %add3A : i32
      %lt3A_145 = arith.constant 2500 : i32
      %lt3A_146 = arith.cmpi slt, %add3A_144, %lt3A_145 : i32
      %convert_element_type3A_147 = arith.extui %lt3A_146 : i1 to i32
      %cond3A_148 = arith.constant 0 : i32
      %cond3A_149 = arith.cmpi ne, %convert_element_type3A_147, %cond3A_148 : i32
      scf.if %cond3A_149 {
        %dma_wait3A = arith.constant 1 : i32
        %dma_wait3A_190 = arith.constant 0 : i32
        %dma_wait3A_191 = tpu.memref_slice %arg7[%dma_wait3A, %dma_wait3A_190] : memref<2x128xi32, #tpu.memory_space<vmem>> -> memref<1x128xi32, #tpu.memory_space<vmem>>
        %dma_wait3A_192 = tpu.memref_squeeze %dma_wait3A_191 : memref<1x128xi32, #tpu.memory_space<vmem>> -> memref<128xi32, #tpu.memory_space<vmem>>
        %dma_wait3A_193 = arith.constant 0 : i32
        %dma_wait3A_194 = arith.constant 0 : i32
        %dma_wait3A_195 = tpu.memref_slice %arg2[%dma_wait3A_193, %dma_wait3A_194] : memref<10000x128xf32, #tpu.memory_space<hbm>> -> memref<10000x128xf32, #tpu.memory_space<hbm>>
        tpu.wait_indirect_dma semaphore(%arg12 : memref<!tpu.dma_semaphore, #tpu.memory_space<semaphore_mem>>) src(%dma_wait3A_195 : memref<10000x128xf32, #tpu.memory_space<hbm>>) dst(%arg9 : memref<128x128xf32, #tpu.memory_space<vmem>>)
        %run_scoped3A = arith.constant 0 : i32
        "tpu.region"() ({
          %run_scoped3A_196 = tpu.sem_alloc : memref<!tpu.dma_semaphore, #tpu.memory_space<semaphore_mem>>
          %dma_start3A = arith.constant 0 : i32
          %dma_start3A_197 = tpu.memref_slice %arg7[%run_scoped3A, %dma_start3A] : memref<2x128xi32, #tpu.memory_space<vmem>> -> memref<1x128xi32, #tpu.memory_space<vmem>>
          %dma_start3A_198 = tpu.memref_squeeze %dma_start3A_197 : memref<1x128xi32, #tpu.memory_space<vmem>> -> memref<128xi32, #tpu.memory_space<vmem>>
          %dma_start3A_199 = arith.constant 0 : i32
          %dma_start3A_200 = arith.constant 0 : i32
          %dma_start3A_201 = tpu.memref_slice %arg11[%dma_start3A_199, %dma_start3A_200] : memref<10240x128xf32, #tpu.memory_space<vmem_shared>> -> memref<10240x128xf32, #tpu.memory_space<vmem_shared>>
          tpu.enqueue_indirect_dma source(%arg9 : memref<128x128xf32, #tpu.memory_space<vmem>>) target(%dma_start3A_201 : memref<10240x128xf32, #tpu.memory_space<vmem_shared>>) offsets(%dma_start3A_198 : memref<128xi32, #tpu.memory_space<vmem>>) semaphore(%run_scoped3A_196 : memref<!tpu.dma_semaphore, #tpu.memory_space<semaphore_mem>>) {add = true}
          %dma_wait3A_202 = arith.constant 0 : i32
          %dma_wait3A_203 = tpu.memref_slice %arg7[%run_scoped3A, %dma_wait3A_202] : memref<2x128xi32, #tpu.memory_space<vmem>> -> memref<1x128xi32, #tpu.memory_space<vmem>>
          %dma_wait3A_204 = tpu.memref_squeeze %dma_wait3A_203 : memref<1x128xi32, #tpu.memory_space<vmem>> -> memref<128xi32, #tpu.memory_space<vmem>>
          %dma_wait3A_205 = arith.constant 0 : i32
          %dma_wait3A_206 = arith.constant 0 : i32
          %dma_wait3A_207 = tpu.memref_slice %arg11[%dma_wait3A_205, %dma_wait3A_206] : memref<10240x128xf32, #tpu.memory_space<vmem_shared>> -> memref<10240x128xf32, #tpu.memory_space<vmem_shared>>
          tpu.wait_indirect_dma semaphore(%run_scoped3A_196 : memref<!tpu.dma_semaphore, #tpu.memory_space<semaphore_mem>>) src(%arg9 : memref<128x128xf32, #tpu.memory_space<vmem>>) dst(%dma_wait3A_207 : memref<10240x128xf32, #tpu.memory_space<vmem_shared>>)
          tpu.yield
        }) : () -> ()
      } else {
      }
      %add3A_150 = arith.constant 6 : i32
      %add3A_151 = arith.addi %add3A_71, %add3A_150 : i32
      %mul3A_152 = arith.constant 32 : i32
      %mul3A_153 = arith.muli %add3A_151, %mul3A_152 : i32
      %add3A_154 = arith.addi %mul3A_153, %add3A : i32
      %lt3A_155 = arith.constant 2500 : i32
      %lt3A_156 = arith.cmpi slt, %add3A_154, %lt3A_155 : i32
      %convert_element_type3A_157 = arith.extui %lt3A_156 : i1 to i32
      %cond3A_158 = arith.constant 0 : i32
      %cond3A_159 = arith.cmpi ne, %convert_element_type3A_157, %cond3A_158 : i32
      scf.if %cond3A_159 {
        %mul3A_190 = arith.constant 128 : i32
        %mul3A_191 = arith.muli %add3A_154, %mul3A_190 : i32
        %dma_start3A = arith.constant 0 : i32
        %dma_start3A_192 = tpu.memref_slice %arg3[%dma_start3A, %mul3A_191] : memref<2x320000xi32, #tpu.memory_space<hbm>> -> memref<2x128xi32, #tpu.memory_space<hbm>>
        %dma_start3A_193 = arith.constant 0 : i32
        %dma_start3A_194 = tpu.memref_slice %arg3[%dma_start3A_193, %mul3A_191] : memref<2x320000xi32, #tpu.memory_space<hbm>> -> memref<2x128xi32, #tpu.memory_space<hbm>>
        tpu.enqueue_dma source(%dma_start3A_194 : memref<2x128xi32, #tpu.memory_space<hbm>>) target(%arg7 : memref<2x128xi32, #tpu.memory_space<vmem>>) target_semaphore(%arg16 : memref<!tpu.dma_semaphore, #tpu.memory_space<semaphore_mem>>)
      } else {
      }
      %add3A_160 = arith.constant 4 : i32
      %add3A_161 = arith.addi %add3A_71, %add3A_160 : i32
      %mul3A_162 = arith.constant 32 : i32
      %mul3A_163 = arith.muli %add3A_161, %mul3A_162 : i32
      %add3A_164 = arith.addi %mul3A_163, %add3A : i32
      %lt3A_165 = arith.constant 2500 : i32
      %lt3A_166 = arith.cmpi slt, %add3A_164, %lt3A_165 : i32
      %convert_element_type3A_167 = arith.extui %lt3A_166 : i1 to i32
      %cond3A_168 = arith.constant 0 : i32
      %cond3A_169 = arith.cmpi ne, %convert_element_type3A_167, %cond3A_168 : i32
      scf.if %cond3A_169 {
        %mul3A_190 = arith.constant 128 : i32
        %mul3A_191 = arith.muli %add3A_164, %mul3A_190 : i32
        %dma_wait3A = arith.constant 0 : i32
        %dma_wait3A_192 = tpu.memref_slice %arg3[%dma_wait3A, %mul3A_191] : memref<2x320000xi32, #tpu.memory_space<hbm>> -> memref<2x128xi32, #tpu.memory_space<hbm>>
        %dma_wait3A_193 = arith.constant 0 : i32
        %dma_wait3A_194 = tpu.memref_slice %arg3[%dma_wait3A_193, %mul3A_191] : memref<2x320000xi32, #tpu.memory_space<hbm>> -> memref<2x128xi32, #tpu.memory_space<hbm>>
        tpu.wait_dma2 semaphore(%arg14 : memref<!tpu.dma_semaphore, #tpu.memory_space<semaphore_mem>>) src(%dma_wait3A_194 : memref<2x128xi32, #tpu.memory_space<hbm>>) dst(%arg5 : memref<2x128xi32, #tpu.memory_space<vmem>>)
        %dma_start3A = arith.constant 1 : i32
        %dma_start3A_195 = arith.constant 0 : i32
        %dma_start3A_196 = tpu.memref_slice %arg5[%dma_start3A, %dma_start3A_195] : memref<2x128xi32, #tpu.memory_space<vmem>> -> memref<1x128xi32, #tpu.memory_space<vmem>>
        %dma_start3A_197 = tpu.memref_squeeze %dma_start3A_196 : memref<1x128xi32, #tpu.memory_space<vmem>> -> memref<128xi32, #tpu.memory_space<vmem>>
        %dma_start3A_198 = arith.constant 0 : i32
        %dma_start3A_199 = arith.constant 0 : i32
        %dma_start3A_200 = tpu.memref_slice %arg2[%dma_start3A_198, %dma_start3A_199] : memref<10000x128xf32, #tpu.memory_space<hbm>> -> memref<10000x128xf32, #tpu.memory_space<hbm>>
        tpu.enqueue_indirect_dma source(%dma_start3A_200 : memref<10000x128xf32, #tpu.memory_space<hbm>>) target(%arg9 : memref<128x128xf32, #tpu.memory_space<vmem>>) offsets(%dma_start3A_197 : memref<128xi32, #tpu.memory_space<vmem>>) semaphore(%arg12 : memref<!tpu.dma_semaphore, #tpu.memory_space<semaphore_mem>>)
      } else {
      }
      %add3A_170 = arith.constant 3 : i32
      %add3A_171 = arith.addi %add3A_71, %add3A_170 : i32
      %mul3A_172 = arith.constant 32 : i32
      %mul3A_173 = arith.muli %add3A_171, %mul3A_172 : i32
      %add3A_174 = arith.addi %mul3A_173, %add3A : i32
      %lt3A_175 = arith.constant 2500 : i32
      %lt3A_176 = arith.cmpi slt, %add3A_174, %lt3A_175 : i32
      %convert_element_type3A_177 = arith.extui %lt3A_176 : i1 to i32
      %cond3A_178 = arith.constant 0 : i32
      %cond3A_179 = arith.cmpi ne, %convert_element_type3A_177, %cond3A_178 : i32
      scf.if %cond3A_179 {
        %dma_wait3A = arith.constant 1 : i32
        %dma_wait3A_190 = arith.constant 0 : i32
        %dma_wait3A_191 = tpu.memref_slice %arg8[%dma_wait3A, %dma_wait3A_190] : memref<2x128xi32, #tpu.memory_space<vmem>> -> memref<1x128xi32, #tpu.memory_space<vmem>>
        %dma_wait3A_192 = tpu.memref_squeeze %dma_wait3A_191 : memref<1x128xi32, #tpu.memory_space<vmem>> -> memref<128xi32, #tpu.memory_space<vmem>>
        %dma_wait3A_193 = arith.constant 0 : i32
        %dma_wait3A_194 = arith.constant 0 : i32
        %dma_wait3A_195 = tpu.memref_slice %arg2[%dma_wait3A_193, %dma_wait3A_194] : memref<10000x128xf32, #tpu.memory_space<hbm>> -> memref<10000x128xf32, #tpu.memory_space<hbm>>
        tpu.wait_indirect_dma semaphore(%arg13 : memref<!tpu.dma_semaphore, #tpu.memory_space<semaphore_mem>>) src(%dma_wait3A_195 : memref<10000x128xf32, #tpu.memory_space<hbm>>) dst(%arg10 : memref<128x128xf32, #tpu.memory_space<vmem>>)
        %run_scoped3A = arith.constant 0 : i32
        "tpu.region"() ({
          %run_scoped3A_196 = tpu.sem_alloc : memref<!tpu.dma_semaphore, #tpu.memory_space<semaphore_mem>>
          %dma_start3A = arith.constant 0 : i32
          %dma_start3A_197 = tpu.memref_slice %arg8[%run_scoped3A, %dma_start3A] : memref<2x128xi32, #tpu.memory_space<vmem>> -> memref<1x128xi32, #tpu.memory_space<vmem>>
          %dma_start3A_198 = tpu.memref_squeeze %dma_start3A_197 : memref<1x128xi32, #tpu.memory_space<vmem>> -> memref<128xi32, #tpu.memory_space<vmem>>
          %dma_start3A_199 = arith.constant 0 : i32
          %dma_start3A_200 = arith.constant 0 : i32
          %dma_start3A_201 = tpu.memref_slice %arg11[%dma_start3A_199, %dma_start3A_200] : memref<10240x128xf32, #tpu.memory_space<vmem_shared>> -> memref<10240x128xf32, #tpu.memory_space<vmem_shared>>
          tpu.enqueue_indirect_dma source(%arg10 : memref<128x128xf32, #tpu.memory_space<vmem>>) target(%dma_start3A_201 : memref<10240x128xf32, #tpu.memory_space<vmem_shared>>) offsets(%dma_start3A_198 : memref<128xi32, #tpu.memory_space<vmem>>) semaphore(%run_scoped3A_196 : memref<!tpu.dma_semaphore, #tpu.memory_space<semaphore_mem>>) {add = true}
          %dma_wait3A_202 = arith.constant 0 : i32
          %dma_wait3A_203 = tpu.memref_slice %arg8[%run_scoped3A, %dma_wait3A_202] : memref<2x128xi32, #tpu.memory_space<vmem>> -> memref<1x128xi32, #tpu.memory_space<vmem>>
          %dma_wait3A_204 = tpu.memref_squeeze %dma_wait3A_203 : memref<1x128xi32, #tpu.memory_space<vmem>> -> memref<128xi32, #tpu.memory_space<vmem>>
          %dma_wait3A_205 = arith.constant 0 : i32
          %dma_wait3A_206 = arith.constant 0 : i32
          %dma_wait3A_207 = tpu.memref_slice %arg11[%dma_wait3A_205, %dma_wait3A_206] : memref<10240x128xf32, #tpu.memory_space<vmem_shared>> -> memref<10240x128xf32, #tpu.memory_space<vmem_shared>>
          tpu.wait_indirect_dma semaphore(%run_scoped3A_196 : memref<!tpu.dma_semaphore, #tpu.memory_space<semaphore_mem>>) src(%arg10 : memref<128x128xf32, #tpu.memory_space<vmem>>) dst(%dma_wait3A_207 : memref<10240x128xf32, #tpu.memory_space<vmem_shared>>)
          tpu.yield
        }) : () -> ()
      } else {
      }
      %add3A_180 = arith.constant 7 : i32
      %add3A_181 = arith.addi %add3A_71, %add3A_180 : i32
      %mul3A_182 = arith.constant 32 : i32
      %mul3A_183 = arith.muli %add3A_181, %mul3A_182 : i32
      %add3A_184 = arith.addi %mul3A_183, %add3A : i32
      %lt3A_185 = arith.constant 2500 : i32
      %lt3A_186 = arith.cmpi slt, %add3A_184, %lt3A_185 : i32
      %convert_element_type3A_187 = arith.extui %lt3A_186 : i1 to i32
      %cond3A_188 = arith.constant 0 : i32
      %cond3A_189 = arith.cmpi ne, %convert_element_type3A_187, %cond3A_188 : i32
      scf.if %cond3A_189 {
        %mul3A_190 = arith.constant 128 : i32
        %mul3A_191 = arith.muli %add3A_184, %mul3A_190 : i32
        %dma_start3A = arith.constant 0 : i32
        %dma_start3A_192 = tpu.memref_slice %arg3[%dma_start3A, %mul3A_191] : memref<2x320000xi32, #tpu.memory_space<hbm>> -> memref<2x128xi32, #tpu.memory_space<hbm>>
        %dma_start3A_193 = arith.constant 0 : i32
        %dma_start3A_194 = tpu.memref_slice %arg3[%dma_start3A_193, %mul3A_191] : memref<2x320000xi32, #tpu.memory_space<hbm>> -> memref<2x128xi32, #tpu.memory_space<hbm>>
        tpu.enqueue_dma source(%dma_start3A_194 : memref<2x128xi32, #tpu.memory_space<hbm>>) target(%arg8 : memref<2x128xi32, #tpu.memory_space<vmem>>) target_semaphore(%arg17 : memref<!tpu.dma_semaphore, #tpu.memory_space<semaphore_mem>>)
      } else {
      }
    }
    %scan3A_61 = arith.constant 20 : i32
    %barrier3A_62 = arith.constant 0 : index
    tpu.barrier barrier_id(%barrier3A_62)
    %mul3A_63 = arith.constant 640 : i32
    %mul3A_64 = arith.muli %arg1, %mul3A_63 : i32
    %mul3A_65 = arith.constant 640 : i32
    %mul3A_66 = arith.muli %arg1, %mul3A_65 : i32
    "tpu.region"() ({
      %run_scoped3A = tpu.sem_alloc : memref<!tpu.dma_semaphore, #tpu.memory_space<semaphore_mem>>
      %dma_start3A = arith.constant 0 : i32
      %dma_start3A_67 = tpu.memref_slice %arg4[%arg0, %mul3A_66, %dma_start3A] : memref<2x10240x128xf32, #tpu.memory_space<hbm>> -> memref<1x640x128xf32, #tpu.memory_space<hbm>>
      %dma_start3A_68 = tpu.memref_squeeze %dma_start3A_67 : memref<1x640x128xf32, #tpu.memory_space<hbm>> -> memref<640x128xf32, #tpu.memory_space<hbm>>
      %dma_start3A_69 = arith.constant 0 : i32
      %dma_start3A_70 = tpu.memref_slice %arg11[%mul3A_64, %dma_start3A_69] : memref<10240x128xf32, #tpu.memory_space<vmem_shared>> -> memref<640x128xf32, #tpu.memory_space<vmem_shared>>
      tpu.enqueue_dma source(%dma_start3A_70 : memref<640x128xf32, #tpu.memory_space<vmem_shared>>) target(%dma_start3A_68 : memref<640x128xf32, #tpu.memory_space<hbm>>) target_semaphore(%run_scoped3A : memref<!tpu.dma_semaphore, #tpu.memory_space<semaphore_mem>>)
      %dma_wait3A = arith.constant 0 : i32
      %dma_wait3A_71 = tpu.memref_slice %arg4[%arg0, %mul3A_66, %dma_wait3A] : memref<2x10240x128xf32, #tpu.memory_space<hbm>> -> memref<1x640x128xf32, #tpu.memory_space<hbm>>
      %dma_wait3A_72 = tpu.memref_squeeze %dma_wait3A_71 : memref<1x640x128xf32, #tpu.memory_space<hbm>> -> memref<640x128xf32, #tpu.memory_space<hbm>>
      %dma_wait3A_73 = arith.constant 0 : i32
      %dma_wait3A_74 = tpu.memref_slice %arg11[%mul3A_64, %dma_wait3A_73] : memref<10240x128xf32, #tpu.memory_space<vmem_shared>> -> memref<640x128xf32, #tpu.memory_space<vmem_shared>>
      tpu.wait_dma2 semaphore(%run_scoped3A : memref<!tpu.dma_semaphore, #tpu.memory_space<semaphore_mem>>) src(%dma_wait3A_74 : memref<640x128xf32, #tpu.memory_space<vmem_shared>>) dst(%dma_wait3A_72 : memref<640x128xf32, #tpu.memory_space<hbm>>)
      tpu.yield
    }) : () -> ()
    return
  }
}

module attributes {stable_mosaic.version = 14 : i64} {
  func.func @_hist_body(%arg0: i32, %arg1: memref<1x1x32000xi32, #tpu.memory_space<vmem>>, %arg2: memref<128x128xf32, #tpu.memory_space<vmem>>) attributes {dimension_semantics = [#tpu.dimension_semantics<arbitrary>], iteration_bounds = array<i64: 10>, scalar_prefetch = 0 : i64, scratch_operands = 0 : i64, tpu.core_type = #tpu.core_type<tc>, window_params = [{transform_indices = @transform_0, window_bounds = array<i64: 1, 1, 32000>}, {pipeline_mode = #tpu.pipeline_mode<synchronous>, transform_indices = @transform_1, window_bounds = array<i64: 128, 128>}]} {
    %get3A = arith.constant 0 : index
    %get3A_0 = arith.constant 0 : index
    %get3A_1 = arith.constant 0 : index
    %get3A_2 = vector.load %arg1[%get3A, %get3A_0, %get3A_1] : memref<1x1x32000xi32, #tpu.memory_space<vmem>>, vector<1x1x32000xi32>
    %get3A_3 = vector.shape_cast %get3A_2 : vector<1x1x32000xi32> to vector<1x32000xi32>
    %shift_right_arithmetic3A = arith.constant 7 : i32
    %shift_right_arithmetic3A_4 = vector.broadcast %shift_right_arithmetic3A : i32 to vector<1x32000xi32>
    %shift_right_arithmetic3A_5 = arith.shrsi %get3A_3, %shift_right_arithmetic3A_4 : vector<1x32000xi32>
    %and3A = arith.constant 127 : i32
    %and3A_6 = vector.broadcast %and3A : i32 to vector<1x32000xi32>
    %and3A_7 = arith.andi %get3A_3, %and3A_6 : vector<1x32000xi32>
    %iota3A = tpu.iota {dimensions = array<i32: 0>} : vector<128x32000xi32>
    %eq3A = vector.broadcast %shift_right_arithmetic3A_5 : vector<1x32000xi32> to vector<128x32000xi32>
    %eq3A_8 = arith.cmpi eq, %iota3A, %eq3A : vector<128x32000xi32>
    %convert_element_type3A = arith.extui %eq3A_8 : vector<128x32000xi1> to vector<128x32000xi32>
    %convert_element_type3A_9 = arith.sitofp %convert_element_type3A : vector<128x32000xi32> to vector<128x32000xf32>
    %convert_element_type3A_10 = arith.truncf %convert_element_type3A_9 : vector<128x32000xf32> to vector<128x32000xbf16>
    %eq3A_11 = vector.broadcast %and3A_7 : vector<1x32000xi32> to vector<128x32000xi32>
    %eq3A_12 = arith.cmpi eq, %iota3A, %eq3A_11 : vector<128x32000xi32>
    %convert_element_type3A_13 = arith.extui %eq3A_12 : vector<128x32000xi1> to vector<128x32000xi32>
    %convert_element_type3A_14 = arith.sitofp %convert_element_type3A_13 : vector<128x32000xi32> to vector<128x32000xf32>
    %convert_element_type3A_15 = arith.truncf %convert_element_type3A_14 : vector<128x32000xf32> to vector<128x32000xbf16>
    %dot_general3A = arith.constant dense<0.000000e+00> : vector<128x128xf32>
    %dot_general3A_16 = tpu.matmul %convert_element_type3A_10, %convert_element_type3A_15, %dot_general3A {dimension_numbers = #tpu.dot_dimension_numbers<[1], [1], [0], [0], [0, 0, 1, 0], [], []>, transpose_lhs_hint = false} : vector<128x32000xbf16>, vector<128x32000xbf16>, vector<128x128xf32> -> vector<128x128xf32>
    %eq3A_17 = arith.constant 0 : i32
    %eq3A_18 = arith.cmpi eq, %arg0, %eq3A_17 : i32
    %convert_element_type3A_19 = arith.extui %eq3A_18 : i1 to i32
    %cond3A = arith.constant 0 : i32
    %cond3A_20 = arith.cmpi ne, %convert_element_type3A_19, %cond3A : i32
    scf.if %cond3A_20 {
      %broadcast_in_dim3A = arith.constant 0.000000e+00 : f32
      %broadcast_in_dim3A_26 = vector.broadcast %broadcast_in_dim3A : f32 to vector<128x128xf32>
      %swap3A_27 = arith.constant 0 : index
      %swap3A_28 = arith.constant 0 : index
      %swap3A_29 = vector.load %arg2[%swap3A_27, %swap3A_28] : memref<128x128xf32, #tpu.memory_space<vmem>>, vector<128x128xf32>
      tpu.vector_store %arg2[%swap3A_27, %swap3A_28], %broadcast_in_dim3A_26 {strides = array<i32>} : memref<128x128xf32, #tpu.memory_space<vmem>>, vector<128x128xf32>,
    } else {
    }
    %get3A_21 = arith.constant 0 : index
    %get3A_22 = arith.constant 0 : index
    %get3A_23 = vector.load %arg2[%get3A_21, %get3A_22] : memref<128x128xf32, #tpu.memory_space<vmem>>, vector<128x128xf32>
    %add3A = arith.addf %get3A_23, %dot_general3A_16 : vector<128x128xf32>
    %swap3A = arith.constant 0 : index
    %swap3A_24 = arith.constant 0 : index
    %swap3A_25 = vector.load %arg2[%swap3A, %swap3A_24] : memref<128x128xf32, #tpu.memory_space<vmem>>, vector<128x128xf32>
    tpu.vector_store %arg2[%swap3A, %swap3A_24], %add3A {strides = array<i32>} : memref<128x128xf32, #tpu.memory_space<vmem>>, vector<128x128xf32>,
    return
  }
  func.func @transform_0(%arg0: i32) -> (i32, i32, i32) {
    %c0_i32 = arith.constant 0 : i32
    %c0_i32_0 = arith.constant 0 : i32
    %c0_i32_1 = arith.constant 0 : i32
    return %arg0, %c0_i32, %c0_i32_0 : i32, i32, i32
  }
  func.func @transform_1(%arg0: i32) -> (i32, i32) {
    %c0_i32 = arith.constant 0 : i32
    %c0_i32_0 = arith.constant 0 : i32
    %c0_i32_1 = arith.constant 0 : i32
    return %c0_i32, %c0_i32_0 : i32, i32
  }
}

module attributes {stable_mosaic.version = 14 : i64} {
  func.func @_mmscale_body(%arg0: i32, %arg1: memref<1000x128xf32, #tpu.memory_space<vmem>>, %arg2: memref<128x128xf32, #tpu.memory_space<vmem>>, %arg3: memref<1000x1xf32, #tpu.memory_space<vmem>>, %arg4: memref<1000x128xf32, #tpu.memory_space<vmem>>) attributes {dimension_semantics = [#tpu.dimension_semantics<arbitrary>], iteration_bounds = array<i64: 10>, scalar_prefetch = 0 : i64, scratch_operands = 0 : i64, tpu.core_type = #tpu.core_type<tc>, window_params = [{transform_indices = @transform_0, window_bounds = array<i64: 1000, 128>}, {pipeline_mode = #tpu.pipeline_mode<synchronous>, transform_indices = @transform_1, window_bounds = array<i64: 128, 128>}, {transform_indices = @transform_2, window_bounds = array<i64: 1000, 1>}, {transform_indices = @transform_3, window_bounds = array<i64: 1000, 128>}]} {
    %get3A = arith.constant 0 : index
    %get3A_0 = arith.constant 0 : index
    %get3A_1 = vector.load %arg1[%get3A, %get3A_0] : memref<1000x128xf32, #tpu.memory_space<vmem>>, vector<1000x128xf32>
    %get3A_2 = arith.constant 0 : index
    %get3A_3 = arith.constant 0 : index
    %get3A_4 = vector.load %arg2[%get3A_2, %get3A_3] : memref<128x128xf32, #tpu.memory_space<vmem>>, vector<128x128xf32>
    %dot_general3A = arith.constant dense<0.000000e+00> : vector<1000x128xf32>
    %dot_general3A_5 = tpu.matmul %get3A_1, %get3A_4, %dot_general3A {dimension_numbers = #tpu.dot_dimension_numbers<[1], [1], [0], [0], [0, 0, 1, 0], [], []>, precision = #tpu.contract_precision<fp32>, transpose_lhs_hint = false} : vector<1000x128xf32>, vector<128x128xf32>, vector<1000x128xf32> -> vector<1000x128xf32>
    %get3A_6 = arith.constant 0 : index
    %get3A_7 = arith.constant 0 : index
    %get3A_8 = vector.load %arg3[%get3A_6, %get3A_7] : memref<1000x1xf32, #tpu.memory_space<vmem>>, vector<1000x1xf32>
    %gt3A = arith.constant 0.000000e+00 : f32
    %gt3A_9 = vector.broadcast %gt3A : f32 to vector<1000x1xf32>
    %gt3A_10 = arith.cmpf ogt, %get3A_8, %gt3A_9 : vector<1000x1xf32>
    %gt3A_11 = arith.constant 0.000000e+00 : f32
    %gt3A_12 = vector.broadcast %gt3A_11 : f32 to vector<1000x1xf32>
    %gt3A_13 = arith.cmpf ogt, %get3A_8, %gt3A_12 : vector<1000x1xf32>
    %jit3A = arith.constant 1.000000e+00 : f32
    %broadcast_in_dim3A = vector.broadcast %jit3A : f32 to vector<1000x1xf32>
    %select_n3A = arith.select %gt3A_13, %get3A_8, %broadcast_in_dim3A : vector<1000x1xi1>, vector<1000x1xf32>
    %rsqrt3A = math.rsqrt %select_n3A : vector<1000x1xf32>
    %jit3A_14 = arith.constant 0.000000e+00 : f32
    %broadcast_in_dim3A_15 = vector.broadcast %jit3A_14 : f32 to vector<1000x1xf32>
    %select_n3A_16 = arith.select %gt3A_10, %rsqrt3A, %broadcast_in_dim3A_15 : vector<1000x1xi1>, vector<1000x1xf32>
    %mul3A = vector.broadcast %select_n3A_16 : vector<1000x1xf32> to vector<1000x128xf32>
    %mul3A_17 = arith.mulf %dot_general3A_5, %mul3A : vector<1000x128xf32>
    %swap3A = arith.constant 0 : index
    %swap3A_18 = arith.constant 0 : index
    %swap3A_19 = vector.load %arg4[%swap3A, %swap3A_18] : memref<1000x128xf32, #tpu.memory_space<vmem>>, vector<1000x128xf32>
    tpu.vector_store %arg4[%swap3A, %swap3A_18], %mul3A_17 {strides = array<i32>} : memref<1000x128xf32, #tpu.memory_space<vmem>>, vector<1000x128xf32>,
    return
  }
  func.func @transform_0(%arg0: i32) -> (i32, i32) {
    %c0_i32 = arith.constant 0 : i32
    %c0_i32_0 = arith.constant 0 : i32
    return %arg0, %c0_i32 : i32, i32
  }
  func.func @transform_1(%arg0: i32) -> (i32, i32) {
    %c0_i32 = arith.constant 0 : i32
    %c0_i32_0 = arith.constant 0 : i32
    %c0_i32_1 = arith.constant 0 : i32
    return %c0_i32, %c0_i32_0 : i32, i32
  }
  func.func @transform_2(%arg0: i32) -> (i32, i32) {
    %c0_i32 = arith.constant 0 : i32
    %c0_i32_0 = arith.constant 0 : i32
    return %arg0, %c0_i32 : i32, i32
  }
  func.func @transform_3(%arg0: i32) -> (i32, i32) {
    %c0_i32 = arith.constant 0 : i32
    %c0_i32_0 = arith.constant 0 : i32
    return %arg0, %c0_i32 : i32, i32
  }
}

module attributes {stable_mosaic.version = 14 : i64} {
  func.func @_final_body(%arg0: i32, %arg1: memref<2x1000x128xf32, #tpu.memory_space<vmem>>, %arg2: memref<1000x1xf32, #tpu.memory_space<vmem>>, %arg3: memref<1x128xf32, #tpu.memory_space<vmem>>, %arg4: memref<1000x128xf32, #tpu.memory_space<vmem>>) attributes {dimension_semantics = [#tpu.dimension_semantics<arbitrary>], iteration_bounds = array<i64: 10>, scalar_prefetch = 0 : i64, scratch_operands = 0 : i64, tpu.core_type = #tpu.core_type<tc>, window_params = [{transform_indices = @transform_0, window_bounds = array<i64: 2, 1000, 128>}, {transform_indices = @transform_1, window_bounds = array<i64: 1000, 1>}, {pipeline_mode = #tpu.pipeline_mode<synchronous>, transform_indices = @transform_2, window_bounds = array<i64: 1, 128>}, {transform_indices = @transform_3, window_bounds = array<i64: 1000, 128>}]} {
    %get3A = arith.constant 0 : index
    %get3A_0 = arith.constant 0 : index
    %get3A_1 = arith.constant 0 : index
    %get3A_2 = vector.load %arg1[%get3A, %get3A_0, %get3A_1] : memref<2x1000x128xf32, #tpu.memory_space<vmem>>, vector<1x1000x128xf32>
    %get3A_3 = vector.shape_cast %get3A_2 : vector<1x1000x128xf32> to vector<1000x128xf32>
    %get3A_4 = arith.constant 1 : index
    %get3A_5 = arith.constant 0 : index
    %get3A_6 = arith.constant 0 : index
    %get3A_7 = vector.load %arg1[%get3A_4, %get3A_5, %get3A_6] : memref<2x1000x128xf32, #tpu.memory_space<vmem>>, vector<1x1000x128xf32>
    %get3A_8 = vector.shape_cast %get3A_7 : vector<1x1000x128xf32> to vector<1000x128xf32>
    %add3A = arith.addf %get3A_3, %get3A_8 : vector<1000x128xf32>
    %get3A_9 = arith.constant 0 : index
    %get3A_10 = arith.constant 0 : index
    %get3A_11 = vector.load %arg2[%get3A_9, %get3A_10] : memref<1000x1xf32, #tpu.memory_space<vmem>>, vector<1000x1xf32>
    %gt3A = arith.constant 0.000000e+00 : f32
    %gt3A_12 = vector.broadcast %gt3A : f32 to vector<1000x1xf32>
    %gt3A_13 = arith.cmpf ogt, %get3A_11, %gt3A_12 : vector<1000x1xf32>
    %gt3A_14 = arith.constant 0.000000e+00 : f32
    %gt3A_15 = vector.broadcast %gt3A_14 : f32 to vector<1000x1xf32>
    %gt3A_16 = arith.cmpf ogt, %get3A_11, %gt3A_15 : vector<1000x1xf32>
    %jit3A = arith.constant 1.000000e+00 : f32
    %broadcast_in_dim3A = vector.broadcast %jit3A : f32 to vector<1000x1xf32>
    %select_n3A = arith.select %gt3A_16, %get3A_11, %broadcast_in_dim3A : vector<1000x1xi1>, vector<1000x1xf32>
    %rsqrt3A = math.rsqrt %select_n3A : vector<1000x1xf32>
    %jit3A_17 = arith.constant 0.000000e+00 : f32
    %broadcast_in_dim3A_18 = vector.broadcast %jit3A_17 : f32 to vector<1000x1xf32>
    %select_n3A_19 = arith.select %gt3A_13, %rsqrt3A, %broadcast_in_dim3A_18 : vector<1000x1xi1>, vector<1000x1xf32>
    %mul3A = vector.broadcast %select_n3A_19 : vector<1000x1xf32> to vector<1000x128xf32>
    %mul3A_20 = arith.mulf %add3A, %mul3A : vector<1000x128xf32>
    %get3A_21 = arith.constant 0 : index
    %get3A_22 = arith.constant 0 : index
    %get3A_23 = vector.load %arg3[%get3A_21, %get3A_22] : memref<1x128xf32, #tpu.memory_space<vmem>>, vector<1x128xf32>
    %add3A_24 = vector.broadcast %get3A_23 : vector<1x128xf32> to vector<1000x128xf32>
    %add3A_25 = arith.addf %mul3A_20, %add3A_24 : vector<1000x128xf32>
    %swap3A = arith.constant 0 : index
    %swap3A_26 = arith.constant 0 : index
    %swap3A_27 = vector.load %arg4[%swap3A, %swap3A_26] : memref<1000x128xf32, #tpu.memory_space<vmem>>, vector<1000x128xf32>
    tpu.vector_store %arg4[%swap3A, %swap3A_26], %add3A_25 {strides = array<i32>} : memref<1000x128xf32, #tpu.memory_space<vmem>>, vector<1000x128xf32>,
    return
  }
  func.func @transform_0(%arg0: i32) -> (i32, i32, i32) {
    %c0_i32 = arith.constant 0 : i32
    %c0_i32_0 = arith.constant 0 : i32
    %c0_i32_1 = arith.constant 0 : i32
    return %c0_i32, %arg0, %c0_i32_0 : i32, i32, i32
  }
  func.func @transform_1(%arg0: i32) -> (i32, i32) {
    %c0_i32 = arith.constant 0 : i32
    %c0_i32_0 = arith.constant 0 : i32
    return %arg0, %c0_i32 : i32, i32
  }
  func.func @transform_2(%arg0: i32) -> (i32, i32) {
    %c0_i32 = arith.constant 0 : i32
    %c0_i32_0 = arith.constant 0 : i32
    %c0_i32_1 = arith.constant 0 : i32
    return %c0_i32, %c0_i32_0 : i32, i32
  }
  func.func @transform_3(%arg0: i32) -> (i32, i32) {
    %c0_i32 = arith.constant 0 : i32
    %c0_i32_0 = arith.constant 0 : i32
    return %arg0, %c0_i32 : i32, i32
  }
}

</mosaic_0001>

<sc_bundles>
// kernel: kernel.6.cloned.1.call-start
scs
__scs_entry_jumppad:
0x0: {  	(pc) =	sbr.rel $0x88, $3  }
0x1: {  	(tag) =	ssettag $0x0;
	lr =	simm.s32 $0x1  }
0x2: {  	[smem:$0x3F9D] =	sst lr;
	_ =	strace $0xD0000000  }
0x3: {  	_ = 	snop  }
0x4: {  	_ = 	snop  }
0x5: {  	_ = 	snop  }
0x6: {  	_ = 	snop  }
0x7: {  	_ = 	snop  }
__scs_overlays_trampoline_lowered:
0x8: {  	[smem:$0x3FAC] =	sst s0  }
0x9: {  	[smem:$0x3FAD] =	sst s1  }
0xa: {  	[smem:$0x3FAE] =	sst s2  }
0xb: {  	[smem:$0x3FAF] =	sst s3  }
0xc: {  	[smem:$0x3FB0] =	sst s4  }
0xd: {  	[smem:$0x3FB1] =	sst s5  }
0xe: {  	[smem:$0x3FB2] =	sst s6  }
0xf: {  	[smem:$0x3FB3] =	sst s7  }
0x10: {  	[smem:$0x3FB4] =	sst s8  }
0x11: {  	[smem:$0x3FB5] =	sst s9;
	s0 =	simm.s32 @!p0 $0x0  }
0x12: {  	s1 =	sld [smem:$0x3F9B];
	s0 =	simm.s32 @p0 $0x1  }
0x13: {  	[smem:$0x3FB6] =	sst s0;
	s0 =	simm.s32 @!p1 $0x0  }
0x14: {  	s2 =	sld [smem:$0x3F9A];
	s0 =	simm.s32 @p1 $0x1  }
0x15: {  	[smem:$0x3FB7] =	sst s0;
	s0 =	simm.s32 @!p2 $0x0  }
0x16: {  	s3 =	sld [smem:$0x3FDB];
	s0 =	simm.s32 @p2 $0x1  }
0x17: {  	s4 =	simm.s32 $0x1BF5;
	[smem:$0x3FB9] =	sst s0  }
0x18: {  	s0 =	sld [smem:$0x3F9C];
	_ =	swait.ge [sflag:s4], $0x0  }
0x19: {  	s7 =	sld [smem:$0x3F9D]  }
0x1a: {  	s8 =	sadd.s32 $0xFFFFE003, lr  }
0x1b: {  	s9 =	sadd.s32 $0xFFFFFEF7, lr;
	s5 =	simm.s32 $0xFFFFFFFF;
	p2 =	slt.u32 s8, $0xFFFFF086  }
0x1c: {  	p1 =	slt.u32 s9, $0xF7A;
	s5 =	simm.s32 @!p2 $0x0  }
0x1d: {  	s5 =	simm.s32 @p1 $0x1;
	p0 =	seq.s32 s7, s2  }
0x1e: {  	s7 =	smul.u32 @!p0 $0xF7A, s2;
	p2 =	seq.s32 @!p0 s5, $0x0  }
0x1f: {  	s9 =	smul.u32 $0xF7A, s1;
	s8 =	simm.s32 @!p0 $0x1BF5;
	p2 =	por !p2, p0  }
0x20: {  	[sflag:s8] =	ssyncset.s32 @!p0 $0xFFFFF086;
	s6 =	sadd.s32 @!p0 s3, s7;
	s7 =	simm.s32 @!p0 $0x108  }
0x21: {  	s3 =	sadd.s32 s3, s9;
	s6 =	sadd.s32 @!p0 $0x88, s6;
	s7 =	simm.s32 @p2 $0x1082  }
0x22: {  	[simem:s7], [sflag:s8] =	dma.local @!p0 [hbm:s6], $0xF7A  }
0x23: {  	s9 =	sor.u32 $0xD0000000, s2;
	s6 =	simm.s32 $0x108;
	_ =	swait.ge @!p0 [sflag:s8], $0x0  }
0x24: {  	s3 =	sadd.s32 $0x88, s3;
	s6 =	simm.s32 @!p1 $0x1082;
	[sflag:s4] =	ssyncset.s32 $0xFFFFF086  }
0x25: {  	[simem:s6], [sflag:s4] =	dma.local [hbm:s3], $0xF7A  }
0x26: {  	[smem:$0x3F9D] =	sst s1;
	(tag) =	ssettag s2;
	_ =	strace s9  }
0x27: {  	s1 =	sld [smem:$0x3FAD]  }
0x28: {  	s2 =	sld [smem:$0x3FAE]  }
0x29: {  	s4 =	sld [smem:$0x3FB0]  }
0x2a: {  	p0 =	seq.s32 s5, $0x0;
	s5 =	sld [smem:$0x3FB1]  }
0x2b: {  	s6 =	sld [smem:$0x3FB2]  }
0x2c: {  	s7 =	sld [smem:$0x3FB3]  }
0x2d: {  	s3 =	simm.s32 $0x108;
	s8 =	sld [smem:$0x3FB4]  }
0x2e: {  	s3 =	simm.s32 @!p0 $0x1082;
	s9 =	sld [smem:$0x3FB5]  }
0x2f: {  	lr =	sadd.s32 s0, s3;
	s0 =	sld [smem:$0x3FAC]  }
0x30: {  	s3 =	sld [smem:$0x3FAF]  }
0x31: {  	[smem:$0x3FB8] =	sst s10  }
0x32: {  	s10 =	sld [smem:$0x3FB6];
	_ =	sdelay $0x3  }
0x33: {  	p0 =	seq.s32 s10, $0x1;
	s10 =	sld [smem:$0x3FB8];
	_ =	sdelay $0x3  }
0x34: {  	[smem:$0x3FB8] =	sst s10  }
0x35: {  	s10 =	sld [smem:$0x3FB7];
	_ =	sdelay $0x3  }
0x36: {  	p1 =	seq.s32 s10, $0x1;
	s10 =	sld [smem:$0x3FB8];
	_ =	sdelay $0x3  }
0x37: {  	[smem:$0x3FB8] =	sst s10  }
0x38: {  	s10 =	sld [smem:$0x3FB9]  }
0x39: {  	_ = 	snop;
	(pc) =	sbr.ind lr, $3  }
0x3a: {  	_ = 	snop  }
0x3b: {  	_ = 	snop  }
0x3c: {  	p2 =	seq.s32 s10, $0x1;
	s10 =	sld [smem:$0x3FB8]  }
0x3d: {  	_ =	shalt  }
0x3e: {  	_ =	shalt  }
0x3f: {  	_ =	shalt  }
0x40: {  	_ =	shalt  }
0x41: {  	_ =	shalt  }
0x42: {  	_ =	shalt  }
0x43: {  	_ =	shalt  }
0x44: {  	_ =	shalt  }
0x45: {  	_ =	shalt  }
0x46: {  	_ =	shalt  }
0x47: {  	_ =	shalt  }
0x48: {  	_ =	shalt  }
0x49: {  	_ =	shalt  }
0x4a: {  	_ =	shalt  }
0x4b: {  	_ =	shalt  }
0x4c: {  	_ =	shalt  }
0x4d: {  	_ =	shalt  }
0x4e: {  	_ =	shalt  }
0x4f: {  	_ =	shalt  }
0x50: {  	_ =	shalt  }
0x51: {  	_ =	shalt  }
0x52: {  	_ =	shalt  }
0x53: {  	_ =	shalt  }
0x54: {  	_ =	shalt  }
0x55: {  	_ =	shalt  }
0x56: {  	_ =	shalt  }
0x57: {  	_ =	shalt  }
0x58: {  	_ =	shalt  }
0x59: {  	_ =	shalt  }
0x5a: {  	_ =	shalt  }
0x5b: {  	_ =	shalt  }
0x5c: {  	_ =	shalt  }
0x5d: {  	_ =	shalt  }
0x5e: {  	_ =	shalt  }
0x5f: {  	_ =	shalt  }
0x60: {  	_ =	shalt  }
0x61: {  	_ =	shalt  }
0x62: {  	_ =	shalt  }
0x63: {  	_ =	shalt  }
0x64: {  	_ =	shalt  }
0x65: {  	_ =	shalt  }
0x66: {  	_ =	shalt  }
0x67: {  	_ =	shalt  }
0x68: {  	_ =	shalt  }
0x69: {  	_ =	shalt  }
0x6a: {  	_ =	shalt  }
0x6b: {  	_ =	shalt  }
0x6c: {  	_ =	shalt  }
0x6d: {  	_ =	shalt  }
0x6e: {  	_ =	shalt  }
0x6f: {  	_ =	shalt  }
0x70: {  	_ =	shalt  }
0x71: {  	_ =	shalt  }
0x72: {  	_ =	shalt  }
0x73: {  	_ =	shalt  }
0x74: {  	_ =	shalt  }
0x75: {  	_ =	shalt  }
0x76: {  	_ =	shalt  }
0x77: {  	_ =	shalt  }
0x78: {  	_ =	shalt  }
0x79: {  	_ =	shalt  }
0x7a: {  	_ =	shalt  }
0x7b: {  	_ =	shalt  }
0x7c: {  	_ =	shalt  }
0x7d: {  	_ =	shalt  }
0x7e: {  	_ =	shalt  }
0x7f: {  	_ =	shalt  }
0x80: {  	_ =	shalt  }
0x81: {  	_ =	shalt  }
0x82: {  	_ =	shalt  }
0x83: {  	_ =	shalt  }
0x84: {  	_ =	shalt  }
0x85: {  	_ =	shalt  }
0x86: {  	_ =	shalt  }
0x87: {  	_ =	shalt  }
.Lfunc_end0:
.L_simem_size_0:
called_computation_lowered:
.L_overlay_start_0:
0x88: {  	s2 =	sld [smem:$0x3FD9]  }
0x89: {  	s3 =	sld [smem:$0x3FFE];
	_ =	sdelay $0x1  }
0x8a: {  	s1 =	srdreg.scid  }
0x8b: {  	s0 =	sand.u32 $0x1, s1  }
0x8c: {  	s17 =	sshll.u32 s0, $0xA;
	s2 =	sadd.s32 s3, s2  }
0x8d: {  	s2 =	sadd.s32 s2, s17  }
0x8e: {  	[smem:$0x3FC4] =	sst s2  }
0x8f: {  	_ = 	snop  }
0x90: {  	s2 =	sld [smem:$0x3FC8]  }
0x91: {  	s18 =	sld [smem:$0x3FD0];
	(tm) =	ssettm $0x1  }
0x92: {  	s4 =	sld [smem:$0x3FFB];
	_ =	sdelay $0x3  }
0x93: {  	_ =	strace s4  }
0x94: {  	s4 =	sld [smem:$0x3FFC];
	_ =	sdelay $0x3  }
0x95: {  	_ =	strace s4  }
0x96: {  	s4 =	sld [smem:$0x3FFD];
	_ =	sdelay $0x3  }
0x97: {  	_ =	strace s4  }
0x98: {  	_ =	strace $0x8FFFFFFF  }
0x99: {  	s19 =	sld [smem:$0x3FDB];
	_ =	sdelay $0x1  }
0x9a: {  	s5 =	simm.s32 $_scs_section_size  }
0x9b: {  	s6 =	simm.s32 $_size__tile_overlayer_lowered;
	s7 =	simm.s32 $_tile_overlayer_lowered  }
0x9c: {  	s22 =	simm.s32 $0x1BFF;
	s21 =	sshll.u32 s7, $0x1;
	s4 =	sadd.s32 s5, s19  }
0x9d: {  	s8 =	simm.s32 $0x0;
	s20 =	sshll.u32 s6, $0x1;
	s6 =	sadd.s32 s21, s4  }
0x9e: {  	[timem:s8], [sflag:s22] =	dma.local [hbm:s6], s20  }
0x9f: {  	_ =	swait.ge [sflag:s22], s20  }
0xa0: {  	s5 =	ssub.s32 $0x0, s20;
	[sflag:s22] =	ssyncset.done $0x0  }
0xa1: {  	[sflag:s22] =	ssyncadd.s32 s5;
	_ =	sdelay $0x1  }
0xa2: {  	s23 =	simm.s32 $0x1B8B  }
0xa3: {  	_ =	swait.ge [sflag:s23], $0x1  }
0xa4: {  	[sflag:s23] =	ssyncset.done $0x0  }
0xa5: {  	s25 =	simm.s32 $0x1B8E;
	s24 =	sld [smem:$0x3FFE];
	[sflag:s23] =	ssyncadd.s32 $0xFFFFFFFF  }
0xa6: {  	s26 =	simm.s32 $execute0_lowered;
	[smem:$0x3FD2] =	sst s25  }
0xa7: {  	s6 =	sshll.u32 s26, $0x1;
	_ =	strace $0x80000046;
	[dreg:$0x1] =	wrdreg $0xFFFFFFFF  }
0xa8: {  	s28 =	simm.s32 $_size_execute0_lowered;
	s4 =	sadd.s32 s4, s6;
	[dreg:$0x0] =	wrdreg $0x0  }
0xa9: {  	s6 =	sshll.u32 s28, $0x1;
	[dreg:$0x2] =	wrdreg s4  }
0xaa: {  	[dreg:$0x3] =	wrdreg s6  }
0xab: {  	[dreg:$0x4] =	wrdreg $0xC0  }
0xac: {  	_ =	task [dreg:s8], $0x5FFFF  }
0xad: {  	[dreg:$0x1] =	wrdreg $0xFFFFFFFF  }
0xae: {  	[dreg:$0x0] =	wrdreg $0x60  }
0xaf: {  	[dreg:$0x2] =	wrdreg s18  }
0xb0: {  	[dreg:$0x3] =	wrdreg s2  }
0xb1: {  	[dreg:$0x4] =	wrdreg s24  }
0xb2: {  	[dreg:$0x5] =	wrdreg $0x84000  }
0xb3: {  	[dreg:$0x6] =	wrdreg $0x9  }
0xb4: {  	_ =	task.clear_ibuf [dreg:s8], $0x7FFFF;
	_ =	strace $0x90000046  }
0xb5: {  	s29 =	simm.s32 $0x9;
	_ =	strace $0x80000048  }
0xb6: {  	_ =	swait.ge [sflag:s29], $0x1  }
0xb7: {  	[sflag:s29] =	ssyncadd.s32 $0xFFFFFFFF  }
0xb8: {  	_ =	strace $0x90000048  }
0xb9: {  	_ =	sfence  }
0xba: {  	s30 =	sld [smem:$0x0];
	_ =	sdelay $0x2  }
0xbb: {  	s31 =	sshll.u32 s1, $0xD;
	s1 =	sshrl.u32 s1, $0x2  }
0xbc: {  	s3 =	sand.u32 $0x4000, s31;
	s1 =	sadd.s32 s1, s30  }
0xbd: {  	s0 =	sor.u32 s3, s0;
	s1 =	sshll.u32 s1, $0x11  }
0xbe: {  	s0 =	sor.u32 s1, s0  }
0xbf: {  	s0 =	sadd.s32 $0x8F2B, s0  }
0xc0: {  	[sflag:s0] =	ssyncadd.remote.s32 $0x1  }
0xc1: {  	_ =	sfence.sel $0xFFFF  }
0xc2: {  	[dreg:$0x0] =	wrdreg $0xFFFFFFFF;
	(pc) =	sbr.abs _section_cstart, $3  }
0xc3: {  	[dreg:$0x1] =	wrdreg $0xFFFFFFFF  }
0xc4: {  	_ =	task.clear_ibuf [dreg:s8], $0x2FFFF;
	_ =	strace $0x9FFFFFFF  }
0xc5: {  	(tm) =	ssettm $0x7FFFFFFF  }
tec
execute0_lowered:
.L_overlay_start_1:
0x0: {  	(tag) =	ssettag $0x1  }
0x1: {  	s0 =	rddreg [dreg:$0x0]  }
0x2: {  	s1 =	rddreg [dreg:$0x1];
	s2 =	srdreg.scid  }
0x3: {  	s5 =	rddreg [dreg:$0x2];
	s10 =	stileid.u32  }
0x4: {  	s3 =	rddreg [dreg:$0x3];
	s4 =	simm.s32 $0x0;
	s28 =	simm.s32 $0x4400  }
0x5: {  	s29 =	simm.s32 $0x1;
	s30 =	simm.s32 $0x2;
	s7 =	smul.u32 $0x14000, s10  }
0x6: {  	s31 =	simm.s32 $0x6;
	s2 =	sand.u32 $0x1, s2;
	s17 =	smul.u32 $0x50000, s10  }
0x7: {  	[smem:$0x7FF] =	sst s4;
	s26 =	sshll.u32 s10, $0x5;
	s6 =	smul.u32 $0x140000, s2  }
0x8: {  	_ =	strace $0x80000047;
	s18 =	ssub.s32 $0x2, s2;
	s9 =	sshll.u32 s2, $0x4  }
0x9: {  	s2 =	sshll.u32 s2, $0x9;
	s20 =	sshrl.u32 s18, $0x1;
	s6 =	sadd.s32 s7, s6  }
0xa: {  	s19 =	sshrl.u32 s17, $0x2;
	s7 =	ssub.s32 s18, s20;
	s6 =	sshrl.u32 s6, $0x3  }
0xb: {  	s18 =	simm.s32 $0x400;
	s8 =	sadd.s32 s6, s5;
	s5 =	sadd.s32 s19, s3  }
0xc: {  	s20 =	simm.s32 $0x100;
	s16 =	smax.u32 s7, $0x1;
	s21 =	sadd.s32 $0x4000, s5  }
0xd: {  	s6 =	sor.u32 s10, s9;
	s22 =	sadd.s32 $0x8000, s5;
	[dreg:$0x5] =	wrdreg s21  }
0xe: {  	s19 =	simm.s32 $0x7;
	s23 =	sadd.s32 $0xC000, s5;
	[dreg:$0x6] =	wrdreg s22  }
0xf: {  	s11 =	sshll.u32 s6, $0x5;
	s24 =	sadd.s32 $0x10000, s5;
	[dreg:$0x7] =	wrdreg s23  }
0x10: {  	s15 =	sadd.s32 $0xE00, s8;
	[dreg:$0x8] =	wrdreg s24;
	s11 =	sadd.s32 s1, s11  }
.Ltmp0:
0x11: {  	s1 =	sadd.s32 s2, s1;
	s21 =	simm.s32 $0x200;
	(pc) =	sbr.rel .LBB2_1-.Ltmp0, $4  }
0x12: {  	s23 =	simm.s32 $0x3;
	s24 =	simm.s32 $0x80;
	s2 =	simm.s32 $0x380  }
0x13: {  	s25 =	sadd.s32 $0x400, s11;
	s13 =	sadd.s32 $0x800, s11;
	s14 =	sadd.s32 $0xC00, s11  }
0x14: {  	s1 =	sadd.s32 s26, s1;
	s26 =	simm.s32 $0x180;
	[dreg:$0x9] =	wrdreg s25  }
0x15: {  	v0 =	vimm.f32 $0.0e+00;
	s7 =	sadd.s32 $0x1C00, s1;
	s25 =	simm.s32 $0x4;
	s1 =	simm.s32 $0x0  }
.LBB2_9:
0x16: {  	s8 =	stileid.u32;
	s1 =	sadd.s32 $0x1, s1  }
0x17: {  	[bflag:$0x0] =	sbarrier.arrive $0xFFFF;
	s8 =	sshll.u32 s8, $0x6;
	p0 =	sne.s32 s1, s16  }
.Ltmp1:
0x18: {  	s9 =	sshrl.u32 s5, $0x3;
	s8 =	sor.u32 $0x1C07, s8;
	(pc) =	sbr.rel @!p0 .LBB2_10-.Ltmp1, $4  }
0x19: {  	[hbm:s15], [sflag:s8] =	dma.local [spmem:s9], $0x2800  }
0x1a: {  	_ =	swait.ge [sflag:s19], $0x2800  }
0x1b: {  	[sflag:s19] =	ssyncset.done $0x0  }
0x1c: {  	[sflag:s19] =	ssyncadd.s32 $0xFFFFD800  }
.LBB2_1:
0x1d: {  	s8 =	simm.s32 $0x0;
	s17 =	simm.s32 $0x200  }
.LBB2_2:
0x1e: {  	p0 =	sne.s32 s17, $0xFE00;
	[tilespmem:s8+$0x470] =	vst v0  }
0x1f: {  	[tilespmem:s8+$0x400] =	vst v0  }
0x20: {  	[tilespmem:s8+$0x410] =	vst v0  }
.Ltmp2:
0x21: {  	[tilespmem:s8+$0x420] =	vst v0;
	(pc) =	sbr.rel @p0 .LBB2_2-.Ltmp2, $4  }
0x22: {  	[tilespmem:s8+$0x430] =	vst v0  }
0x23: {  	[tilespmem:s8+$0x440] =	vst v0  }
0x24: {  	[tilespmem:s8+$0x450] =	vst v0  }
0x25: {  	[tilespmem:s8+$0x460] =	vst v0;
	s8 =	sshra.s32 s17, $0x2;
	s17 =	sadd.s32 $0x200, s17  }
0x26: {  	[tilespmem:s8+$0x470] =	vst v0  }
0x27: {  	[tilespmem:s8+$0x400] =	vst v0  }
0x28: {  	[tilespmem:s8+$0x410] =	vst v0  }
0x29: {  	[tilespmem:s8+$0x420] =	vst v0  }
0x2a: {  	[tilespmem:s8+$0x430] =	vst v0  }
0x2b: {  	[tilespmem:s8+$0x440] =	vst v0  }
0x2c: {  	[tilespmem:s8+$0x450] =	vst v0  }
0x2d: {  	[tilespmem:s8+$0x460] =	vst v0  }
0x2e: {  	[spmem:s5] =	stream.linear.scatter [tilespmem:s18], [sflag:$0x7], $0x4000, $0x38;
	[tilespmem:$0x1C400] =	vst v63  }
0x2f: {  	_ =	swait.ge [sflag:s19], $0x4000  }
0x30: {  	[sflag:s19] =	ssyncset.done $0x0  }
0x31: {  	s17 =	rddreg [dreg:$0x5];
	[sflag:s19] =	ssyncadd.s32 $0xFFFFC000  }
0x32: {  	[spmem:s17] =	stream.linear.scatter [tilespmem:s18], [sflag:$0x7], $0x4000, $0x38;
	[tilespmem:$0x1C400] =	vst v63  }
0x33: {  	_ =	swait.ge [sflag:s19], $0x4000  }
0x34: {  	[sflag:s19] =	ssyncset.done $0x0  }
0x35: {  	s22 =	rddreg [dreg:$0x6];
	[sflag:s19] =	ssyncadd.s32 $0xFFFFC000  }
0x36: {  	[spmem:s22] =	stream.linear.scatter [tilespmem:s18], [sflag:$0x7], $0x4000, $0x38;
	[tilespmem:$0x1C400] =	vst v63  }
0x37: {  	_ =	swait.ge [sflag:s19], $0x4000  }
0x38: {  	[sflag:s19] =	ssyncset.done $0x0  }
0x39: {  	s9 =	rddreg [dreg:$0x7];
	[sflag:s19] =	ssyncadd.s32 $0xFFFFC000  }
0x3a: {  	[spmem:s9] =	stream.linear.scatter [tilespmem:s18], [sflag:$0x7], $0x4000, $0x38;
	[tilespmem:$0x1C400] =	vst v63  }
0x3b: {  	_ =	swait.ge [sflag:s19], $0x4000  }
0x3c: {  	[sflag:s19] =	ssyncset.done $0x0  }
0x3d: {  	s10 =	rddreg [dreg:$0x8];
	[sflag:s19] =	ssyncadd.s32 $0xFFFFC000  }
0x3e: {  	[spmem:s10] =	stream.linear.scatter [tilespmem:s18], [sflag:$0x7], $0x4000, $0x38;
	[tilespmem:$0x1C400] =	vst v63  }
0x3f: {  	_ =	swait.ge [sflag:s19], $0x4000  }
0x40: {  	[sflag:s19] =	ssyncset.done $0x0  }
0x41: {  	[sflag:s19] =	ssyncadd.s32 $0xFFFFC000  }
0x42: {  	s22 =	simm.s32 $0x0;
	[bflag:$0x0] =	sbarrier.arrive $0xFFFF  }
0x43: {  	[tilespmem:s22], [sflag:$0x3] =	stream.linear.gather [hbm4b:s11+s22], $0x100, $0x38;
	[tilespmem:$0x1C400] =	vst v63  }
0x44: {  	s12 =	rddreg [dreg:$0x9]  }
0x45: {  	[tilespmem:s20], [sflag:$0x4] =	stream.linear.gather [hbm4b:s12+s22], $0x100, $0x38;
	[tilespmem:$0x1C400] =	vst v63  }
0x46: {  	_ = 	snop  }
0x47: {  	[tilespmem:s21], [sflag:$0x5] =	stream.linear.gather [hbm4b:s13+s22], $0x100, $0x38;
	[tilespmem:$0x1C400] =	vst v63  }
0x48: {  	s17 =	simm.s32 $0x300  }
0x49: {  	[tilespmem:s17], [sflag:$0x6] =	stream.linear.gather [hbm4b:s14+s22], $0x100, $0x38;
	[tilespmem:$0x1C400] =	vst v63  }
.Ltmp3:
0x4a: {  	_ = 	snop;
	(pc) =	sbr.rel .LBB2_4-.Ltmp3, $4  }
0x4b: {  	_ =	swait.ge [sflag:s23], $0x100  }
0x4c: {  	[sflag:s23] =	ssyncset.done $0x0  }
0x4d: {  	s17 =	smov.u32 s7;
	[sflag:s23] =	ssyncadd.s32 $0xFFFFFF00  }
0x4e: {  	[tilespmem:s18], [sflag:$0x1] =	stream.indirect.gather [hbm4b:s0+s24], $0x80, s24, s24, $0xb8;
	[tilespmem:$0x1C400] =	vst v63  }
.LBB2_5:
0x4f: {  	_ =	swait.ge [sflag:s31], $0x100  }
0x50: {  	[sflag:s31] =	ssyncset.done $0x0  }
0x51: {  	[sflag:s31] =	ssyncadd.s32 $0xFFFFFF00  }
0x52: {  	[tilespmem:s28], [sflag:$0x2] =	stream.indirect.gather [hbm4b:s0+s24], $0x80, s2, s24, $0xb8;
	[tilespmem:$0x1C400] =	vst v63  }
.LBB2_7:
0x53: {  	_ =	swait.ge [sflag:s29], $0x4000  }
0x54: {  	[sflag:s29] =	ssyncset.done $0x0  }
0x55: {  	[sflag:s29] =	ssyncadd.s32 $0xFFFFC000  }
0x56: {  	[spmem:s3] =	stream.indirect.scatter.add.f32 [tilespmem:s18], [sflag:$0x7], $0x80, s21, s24, $0xb8;
	[tilespmem:$0x1C400] =	vst v63  }
0x57: {  	_ =	swait.ge [sflag:s19], $0x4000  }
0x58: {  	[sflag:s19] =	ssyncset.done $0x0  }
0x59: {  	[sflag:s19] =	ssyncadd.s32 $0xFFFFC000  }
.LBB2_8:
0x5a: {  	s9 =	sadd.s32 $0xC0, s8  }
0x5b: {  	p2 =	sgt.u32 s9, $0x9C3  }
0x5c: {  	s9 =	sadd.s32 @!p2 $0xFFFFFC00, s17;
	s10 =	simm.s32 @!p2 $0x0;
	s12 =	simm.s32 @!p2 $0x200  }
0x5d: {  	[tilespmem:s12], [sflag:$0x5] =	stream.linear.gather @!p2 [hbm4b:s9+s10], $0x100, $0x38;
	[tilespmem:$0x1C400] =	vst v63  }
0x5e: {  	s9 =	simm.s32 @!p0 $0x3  }
0x5f: {  	_ =	swait.ge @!p0 [sflag:s9], $0x100  }
0x60: {  	[sflag:s9] =	ssyncset.done @!p0 $0x0  }
0x61: {  	s10 =	simm.s32 @!p0 $0x400;
	[sflag:s9] =	ssyncadd.s32 @!p0 $0xFFFFFF00;
	s9 =	simm.s32 @!p0 $0x80  }
0x62: {  	[tilespmem:s10], [sflag:$0x1] =	stream.indirect.gather @!p0 [hbm4b:s0+s9], $0x80, s9, s9, $0xb8;
	[tilespmem:$0x1C400] =	vst v63  }
0x63: {  	s9 =	simm.s32 @!p1 $0x2  }
0x64: {  	_ =	swait.ge @!p1 [sflag:s9], $0x4000  }
0x65: {  	s12 =	simm.s32 @!p1 $0x4400;
	[sflag:s9] =	ssyncset.done @!p1 $0x0  }
0x66: {  	s10 =	simm.s32 @!p1 $0x300;
	[sflag:s9] =	ssyncadd.s32 @!p1 $0xFFFFC000;
	s9 =	simm.s32 @!p1 $0x80  }
0x67: {  	[spmem:s3] =	stream.indirect.scatter.add.f32 @!p1 [tilespmem:s12], [sflag:$0x7], $0x80, s10, s9, $0xb8;
	[tilespmem:$0x1C400] =	vst v63  }
0x68: {  	s9 =	simm.s32 @!p1 $0x7  }
0x69: {  	s12 =	sadd.s32 $0xE0, s8;
	_ =	swait.ge @!p1 [sflag:s9], $0x4000  }
0x6a: {  	s22 =	sadd.s32 $0x80, s22;
	p0 =	sgt.u32 s12, $0x9C3;
	[sflag:s9] =	ssyncset.done @!p1 $0x0  }
0x6b: {  	s8 =	simm.s32 @!p0 $0x0;
	[sflag:s9] =	ssyncadd.s32 @!p1 $0xFFFFC000;
	s9 =	simm.s32 @!p0 $0x300  }
0x6c: {  	[tilespmem:s9], [sflag:$0x6] =	stream.linear.gather @!p0 [hbm4b:s17+s8], $0x100, $0x38;
	[tilespmem:$0x1C400] =	vst v63  }
0x6d: {  	p0 =	sne.s32 s22, $0xA00  }
.Ltmp4:
0x6e: {  	_ = 	snop;
	(pc) =	sbr.rel @!p0 .LBB2_9-.Ltmp4, $2  }
0x6f: {  	_ =	sdelay $0x2  }
0x70: {  	s17 =	sadd.s32 $0x1000, s17  }
.LBB2_4:
0x71: {  	_ =	swait.ge [sflag:s25], $0x100  }
0x72: {  	[sflag:s25] =	ssyncset.done $0x0  }
0x73: {  	[sflag:s25] =	ssyncadd.s32 $0xFFFFFF00  }
0x74: {  	[tilespmem:s28], [sflag:$0x2] =	stream.indirect.gather [hbm4b:s0+s24], $0x80, s26, s24, $0xb8;
	[tilespmem:$0x1C400] =	vst v63  }
0x75: {  	_ =	swait.ge [sflag:s29], $0x4000  }
0x76: {  	[sflag:s29] =	ssyncset.done $0x0  }
0x77: {  	s8 =	sadd.s32 s22, s6;
	[sflag:s29] =	ssyncadd.s32 $0xFFFFC000  }
0x78: {  	[spmem:s3] =	stream.indirect.scatter.add.f32 [tilespmem:s18], [sflag:$0x7], $0x80, s4, s24, $0xb8;
	[tilespmem:$0x1C400] =	vst v63  }
0x79: {  	s9 =	sadd.s32 $0x80, s8;
	_ =	swait.ge [sflag:s19], $0x4000  }
0x7a: {  	p2 =	sgt.u32 s8, $0x983;
	p0 =	sgt.u32 s9, $0x9C3;
	[sflag:s19] =	ssyncset.done $0x0  }
0x7b: {  	s9 =	sadd.s32 @!p0 $0xFFFFF400, s17;
	s10 =	simm.s32 @!p0 $0x0;
	[sflag:s19] =	ssyncadd.s32 $0xFFFFC000  }
0x7c: {  	[tilespmem:s10], [sflag:$0x3] =	stream.linear.gather @!p0 [hbm4b:s9+s10], $0x100, $0x38;
	[tilespmem:$0x1C400] =	vst v63  }
0x7d: {  	s9 =	simm.s32 @!p2 $0x5  }
0x7e: {  	_ =	swait.ge @!p2 [sflag:s9], $0x100  }
0x7f: {  	s12 =	simm.s32 @!p2 $0x400;
	[sflag:s9] =	ssyncset.done @!p2 $0x0  }
0x80: {  	s10 =	simm.s32 @!p2 $0x280;
	[sflag:s9] =	ssyncadd.s32 @!p2 $0xFFFFFF00;
	s9 =	simm.s32 @!p2 $0x80  }
0x81: {  	[tilespmem:s12], [sflag:$0x1] =	stream.indirect.gather @!p2 [hbm4b:s0+s9], $0x80, s10, s9, $0xb8;
	[tilespmem:$0x1C400] =	vst v63  }
0x82: {  	_ =	swait.ge [sflag:s30], $0x4000  }
0x83: {  	[sflag:s30] =	ssyncset.done $0x0  }
0x84: {  	s12 =	sadd.s32 $0xA0, s8;
	[sflag:s30] =	ssyncadd.s32 $0xFFFFC000  }
0x85: {  	[spmem:s3] =	stream.indirect.scatter.add.f32 [tilespmem:s28], [sflag:$0x7], $0x80, s20, s24, $0xb8;
	[tilespmem:$0x1C400] =	vst v63  }
0x86: {  	p1 =	sgt.u32 s12, $0x9C3;
	_ =	swait.ge [sflag:s19], $0x4000  }
0x87: {  	s9 =	sadd.s32 @!p1 $0xFFFFF800, s17;
	[sflag:s19] =	ssyncset.done $0x0  }
0x88: {  	s10 =	simm.s32 @!p1 $0x0;
	s12 =	simm.s32 @!p1 $0x100;
	[sflag:s19] =	ssyncadd.s32 $0xFFFFC000  }
0x89: {  	[tilespmem:s12], [sflag:$0x4] =	stream.linear.gather @!p1 [hbm4b:s9+s10], $0x100, $0x38;
	[tilespmem:$0x1C400] =	vst v63  }
0x8a: {  	p1 =	sgt.u32 s8, $0x963  }
.Ltmp5:
0x8b: {  	_ = 	snop;
	(pc) =	sbr.rel @!p1 .LBB2_5-.Ltmp5, $1  }
0x8c: {  	_ =	sdelay $0x3  }
.Ltmp6:
0x8d: {  	(pc) =	sbr.rel @p2 .LBB2_8-.Ltmp6, $4  }
.Ltmp7:
0x8e: {  	(pc) =	sbr.rel @!p2 .LBB2_7-.Ltmp7, $4  }
0x8f: {  	_ = 	snop  }
0x90: {  	_ = 	snop  }
0x91: {  	_ = 	snop  }
0x92: {  	_ = 	snop  }
.LBB2_10:
0x93: {  	_ =	sfence.sel $0x180000  }
0x94: {  	[bflag:$0x0] =	sbarrier.arrive $0xFFFF  }
0x95: {  	_ =	strace $0x90000047  }
0x96: {  	s0 =	stileid.u32;
	[bflag:$0x2] =	sbarrier.arrive $0xFFFF  }
0x97: {  	p0 =	sne.s32 s0, $0x0;
	s0 =	rddreg [dreg:$0x4]  }
0x98: {  	s0 =	sadd.s32 @!p0 $0x100000, s0  }
0x99: {  	[sflag:s0] =	ssyncadd.tile.s32 @!p0 $0x1;
	_ =	shalt  }
.Lfunc_end2:
_tile_overlayer_lowered:
.L_overlay_start_2:
0x9a: {  	(tag) =	ssettag $0x2  }
0x9b: {  	s0 =	rddreg [dreg:$0x0];
	s2 =	stileid.u32  }
0x9c: {  	s1 =	rddreg [dreg:$0x1];
	p0 =	sne.s32 s2, $0x0  }
0x9d: {  	s3 =	rddreg [dreg:$0x2];
	[bflag:$0x3] =	sbarrier.arrive $0xFFFF;
	s2 =	simm.s32 @!p0 $0x1C07  }
0x9e: {  	[timem:s3], [sflag:s2] =	dma.local @!p0 [hbm:s0], s1  }
0x9f: {  	s0 =	simm.s32 @!p0 $0x7  }
0xa0: {  	_ =	swait.ge @!p0 [sflag:s0], s1  }
0xa1: {  	s1 =	ssub.s32 @!p0 $0x0, s1;
	[sflag:s0] =	ssyncset.done @!p0 $0x0  }
0xa2: {  	[sflag:s0] =	ssyncadd.s32 @!p0 s1  }
0xa3: {  	[bflag:$0x3] =	sbarrier.arrive $0xFFFF  }
0xa4: {  	_ =	shalt  }

</sc_bundles>
